<compile_context>
chip_gen: v7x
topology: tpu7x:2x2x1
jax: 0.10.2.dev20260603
libtpu: 0.0.44.dev20260713+nightly
codegen_flags: <defaults>
</compile_context>

<pallas_src>
import functools

import jax
import jax.numpy as jnp
from jax import lax
from jax.experimental import pallas as pl
from jax.experimental.pallas import tpu as pltpu
from jax.experimental.pallas import tpu_sc as plsc

B = 4096
L = 50
D = 64
NBINS = 32
LANES = 16
NC = 2
NS = 16
NW = NC * NS
ROWS_PER_W = B // NW
GROUPS = ROWS_PER_W // LANES
IDS_WORDS = ROWS_PER_W * L
COUNT_WORDS = ROWS_PER_W * NBINS

_mesh = plsc.VectorSubcoreMesh(core_axis_name="c", subcore_axis_name="s")


@functools.partial(
    pl.kernel,
    mesh=_mesh,
    out_type=jax.ShapeDtypeStruct((B * NBINS,), jnp.float32),
    scratch_types=[
        pltpu.VMEM((IDS_WORDS,), jnp.int32),
        pltpu.VMEM((IDS_WORDS,), jnp.int32),
        pltpu.VMEM((COUNT_WORDS,), jnp.float32),
        pltpu.SemaphoreType.DMA,
        pltpu.SemaphoreType.DMA,
    ],
    compiler_params=pltpu.CompilerParams(needs_layout_passes=False),
)
def _hist_kernel(ids_hbm, typ_hbm, counts_hbm, ids_v, typ_v, counts_v,
                 sem_i, sem_t):
    wid = lax.axis_index("s") * NC + lax.axis_index("c")
    base = wid * IDS_WORDS
    cp_i = pltpu.async_copy(ids_hbm.at[pl.ds(base, IDS_WORDS)], ids_v, sem_i)
    cp_t = pltpu.async_copy(typ_hbm.at[pl.ds(base, IDS_WORDS)], typ_v, sem_t)

    zeros = jnp.zeros((LANES,), jnp.float32)

    def zero_body(i, carry):
        b = i * (LANES * 8)
        for u in range(8):
            counts_v[pl.ds(b + u * LANES, LANES)] = zeros
        return carry

    lax.fori_loop(0, COUNT_WORDS // (LANES * 8), zero_body, 0)
    cp_i.wait()
    cp_t.wait()

    ones = jnp.ones((LANES,), jnp.float32)
    stride_vec = lax.iota(jnp.int32, LANES) * L
    lane_rows = lax.iota(jnp.int32, LANES) * NBINS
    UNROLL = 10
    for g in range(GROUPS):
        gvec = stride_vec + g * LANES * L
        row_vec = lane_rows + g * LANES * NBINS
        row_vec_t = row_vec + (NBINS - 5)

        def hist_body(j, carry, gvec=gvec, row_vec=row_vec, row_vec_t=row_vec_t):
            idx = gvec + j * UNROLL
            for u in range(UNROLL):
                c = plsc.load_gather(ids_v, [idx + u])
                plsc.addupdate_scatter(counts_v, [c + row_vec], ones)
                t = plsc.load_gather(typ_v, [idx + u])
                plsc.addupdate_scatter(counts_v, [t + row_vec_t], ones)
            return carry

        lax.fori_loop(0, L // UNROLL, hist_body, 0)

    pltpu.sync_copy(counts_v, counts_hbm.at[pl.ds(wid * COUNT_WORDS, COUNT_WORDS)])


def _matmul_body(counts_ref, table_ref, out_ref):
    out_ref[...] = jnp.dot(
        counts_ref[...], table_ref[...], preferred_element_type=jnp.float32
    )


def _pooled_matmul(counts, table32):
    return pl.pallas_call(
        _matmul_body,
        out_shape=jax.ShapeDtypeStruct((B, D), jnp.float32),
    )(counts, table32)


@jax.jit
def kernel(marker_ids, marker_types, marker_embed, marker_type_embed):
    ids = marker_ids.astype(jnp.int32).reshape(-1)
    typ = marker_types.astype(jnp.int32).reshape(-1)

    counts = _hist_kernel(ids, typ).reshape(B, NBINS)

    table32 = jnp.concatenate(
        [
            marker_embed,
            marker_type_embed,
            jnp.zeros((NBINS - marker_embed.shape[0] - marker_type_embed.shape[0], D),
                      jnp.float32),
        ],
        axis=0,
    ) * (1.0 / L)

    return _pooled_matmul(counts, table32)

# --- scband reference (transcript-rebuilt; emitter-appended) ---
"""Pipeline reference for scband-hu-tu-detector-56418690401057 (READ-ONLY COPY).

The authoritative reference and input builder live on the scoring server;
editing this copy changes nothing except your own understanding.
"""

import jax, jax.numpy as jnp
import numpy as np

NUM_MARKERS = 26  # |YIELD(9) U HOLD(9) U BACKCHANNEL(8)| disjoint sets
EMBED_DIM = 64
BATCH = 4096
HIST = 50

def setup_inputs(seed: int = 0) -> dict:
    key = jax.random.key(seed)
    k1, k2, k3, k4 = jax.random.split(key, 4)
    marker_ids = jax.random.randint(k1, (BATCH, HIST), 0, NUM_MARKERS + 1)
    marker_types = jax.random.randint(k2, (BATCH, HIST), 0, 4)
    marker_embed = jax.random.normal(k3, (NUM_MARKERS + 1, EMBED_DIM), dtype=jnp.float32)
    marker_type_embed = jax.random.normal(k4, (4, EMBED_DIM), dtype=jnp.float32)
    return {
        "marker_ids": marker_ids,
        "marker_types": marker_types,
        "marker_embed": marker_embed,
        "marker_type_embed": marker_type_embed,
    }

def reference(marker_ids, marker_types, marker_embed, marker_type_embed):
    # Batched translation of HuTuDetector.forward: the original tokenizes a
    # string into marker ids/types; here ids/types are precomputed index
    # tensors of shape [B, L]. Embedding lookup + mean over the marker axis,
    # then sum of the two pooled embeddings.
    me = jnp.take(marker_embed, marker_ids, axis=0).mean(axis=1)   # [B, D]
    te = jnp.take(marker_type_embed, marker_types, axis=0).mean(axis=1)  # [B, D]
    return me + te

if __name__ == "__main__":
    import jax
    _d = setup_inputs()
    print(jax.jit(kernel)(*tuple(_d.values())))

</pallas_src>

<mosaic_0001>
#map = affine_map<(d0, d1) -> (0)>
module attributes {stable_mosaic.version = 14 : i64} {
  func.func @_hist_kernel(%arg0: i32, %arg1: i32, %arg2: memref<204800xi32, #tpu.memory_space<hbm>>, %arg3: memref<204800xi32, #tpu.memory_space<hbm>>, %arg4: memref<131072xf32, #tpu.memory_space<hbm>>, %arg5: memref<6400xi32, #tpu.memory_space<vmem>>, %arg6: memref<6400xi32, #tpu.memory_space<vmem>>, %arg7: memref<4096xf32, #tpu.memory_space<vmem>>, %arg8: memref<!tpu.dma_semaphore, #tpu.memory_space<semaphore_mem>>, %arg9: memref<!tpu.dma_semaphore, #tpu.memory_space<semaphore_mem>>) attributes {dimension_semantics = [#tpu.dimension_semantics<core_parallel>, #tpu.dimension_semantics<subcore_parallel>], iteration_bounds = array<i64: 2, 16>, scalar_prefetch = 0 : i64, scratch_operands = 5 : i64, tpu.core_type = #tpu.core_type<sc_vector_subcore>, window_params = [{transform_indices = #map}, {transform_indices = #map}, {transform_indices = #map}]} {
    %mul3A = arith.constant 2 : i32
    %mul3A_0 = arith.muli %arg1, %mul3A : i32
    %add3A = arith.addi %mul3A_0, %arg0 : i32
    %mul3A_1 = arith.constant 6400 : i32
    %mul3A_2 = arith.muli %add3A, %mul3A_1 : i32
    %dma_start3A = tpu.memref_slice %arg2[%mul3A_2] : memref<204800xi32, #tpu.memory_space<hbm>> -> memref<6400xi32, #tpu.memory_space<hbm>>
    %dma_start3A_3 = tpu.memref_slice %arg2[%mul3A_2] : memref<204800xi32, #tpu.memory_space<hbm>> -> memref<6400xi32, #tpu.memory_space<hbm>>
    tpu.enqueue_dma source(%dma_start3A_3 : memref<6400xi32, #tpu.memory_space<hbm>>) target(%arg5 : memref<6400xi32, #tpu.memory_space<vmem>>) target_semaphore(%arg8 : memref<!tpu.dma_semaphore, #tpu.memory_space<semaphore_mem>>)
    %dma_start3A_4 = tpu.memref_slice %arg3[%mul3A_2] : memref<204800xi32, #tpu.memory_space<hbm>> -> memref<6400xi32, #tpu.memory_space<hbm>>
    %dma_start3A_5 = tpu.memref_slice %arg3[%mul3A_2] : memref<204800xi32, #tpu.memory_space<hbm>> -> memref<6400xi32, #tpu.memory_space<hbm>>
    tpu.enqueue_dma source(%dma_start3A_5 : memref<6400xi32, #tpu.memory_space<hbm>>) target(%arg6 : memref<6400xi32, #tpu.memory_space<vmem>>) target_semaphore(%arg9 : memref<!tpu.dma_semaphore, #tpu.memory_space<semaphore_mem>>)
    %broadcast_in_dim3A = arith.constant 0.000000e+00 : f32
    %broadcast_in_dim3A_6 = vector.broadcast %broadcast_in_dim3A : f32 to vector<16xf32>
    %scan3A = arith.constant 0 : i32
    %scan3A_7 = arith.constant 0 : i32
    %scan3A_8 = arith.constant 32 : i32
    %scan3A_9 = arith.addi %scan3A_7, %scan3A_8 : i32
    %scan3A_10 = arith.constant 1 : i32
    scf.for %scan3A_146 = %scan3A_7 to %scan3A_9 step %scan3A_10  : i32 {
      %mul3A_147 = arith.constant 128 : i32
      %mul3A_148 = arith.muli %scan3A_146, %mul3A_147 : i32
      %add3A_149 = arith.constant 0 : i32
      %add3A_150 = arith.addi %mul3A_148, %add3A_149 : i32
      %swap3A = arith.index_cast %add3A_150 : i32 to index
      %swap3A_151 = tpu.vector_load %arg7[%swap3A] {strides = array<i32>} : memref<4096xf32, #tpu.memory_space<vmem>>, vector<16xf32>,
      tpu.vector_store %arg7[%swap3A], %broadcast_in_dim3A_6 {strides = array<i32>} : memref<4096xf32, #tpu.memory_space<vmem>>, vector<16xf32>,
      %add3A_152 = arith.constant 16 : i32
      %add3A_153 = arith.addi %mul3A_148, %add3A_152 : i32
      %swap3A_154 = arith.index_cast %add3A_153 : i32 to index
      %swap3A_155 = tpu.vector_load %arg7[%swap3A_154] {strides = array<i32>} : memref<4096xf32, #tpu.memory_space<vmem>>, vector<16xf32>,
      tpu.vector_store %arg7[%swap3A_154], %broadcast_in_dim3A_6 {strides = array<i32>} : memref<4096xf32, #tpu.memory_space<vmem>>, vector<16xf32>,
      %add3A_156 = arith.constant 32 : i32
      %add3A_157 = arith.addi %mul3A_148, %add3A_156 : i32
      %swap3A_158 = arith.index_cast %add3A_157 : i32 to index
      %swap3A_159 = tpu.vector_load %arg7[%swap3A_158] {strides = array<i32>} : memref<4096xf32, #tpu.memory_space<vmem>>, vector<16xf32>,
      tpu.vector_store %arg7[%swap3A_158], %broadcast_in_dim3A_6 {strides = array<i32>} : memref<4096xf32, #tpu.memory_space<vmem>>, vector<16xf32>,
      %add3A_160 = arith.constant 48 : i32
      %add3A_161 = arith.addi %mul3A_148, %add3A_160 : i32
      %swap3A_162 = arith.index_cast %add3A_161 : i32 to index
      %swap3A_163 = tpu.vector_load %arg7[%swap3A_162] {strides = array<i32>} : memref<4096xf32, #tpu.memory_space<vmem>>, vector<16xf32>,
      tpu.vector_store %arg7[%swap3A_162], %broadcast_in_dim3A_6 {strides = array<i32>} : memref<4096xf32, #tpu.memory_space<vmem>>, vector<16xf32>,
      %add3A_164 = arith.constant 64 : i32
      %add3A_165 = arith.addi %mul3A_148, %add3A_164 : i32
      %swap3A_166 = arith.index_cast %add3A_165 : i32 to index
      %swap3A_167 = tpu.vector_load %arg7[%swap3A_166] {strides = array<i32>} : memref<4096xf32, #tpu.memory_space<vmem>>, vector<16xf32>,
      tpu.vector_store %arg7[%swap3A_166], %broadcast_in_dim3A_6 {strides = array<i32>} : memref<4096xf32, #tpu.memory_space<vmem>>, vector<16xf32>,
      %add3A_168 = arith.constant 80 : i32
      %add3A_169 = arith.addi %mul3A_148, %add3A_168 : i32
      %swap3A_170 = arith.index_cast %add3A_169 : i32 to index
      %swap3A_171 = tpu.vector_load %arg7[%swap3A_170] {strides = array<i32>} : memref<4096xf32, #tpu.memory_space<vmem>>, vector<16xf32>,
      tpu.vector_store %arg7[%swap3A_170], %broadcast_in_dim3A_6 {strides = array<i32>} : memref<4096xf32, #tpu.memory_space<vmem>>, vector<16xf32>,
      %add3A_172 = arith.constant 96 : i32
      %add3A_173 = arith.addi %mul3A_148, %add3A_172 : i32
      %swap3A_174 = arith.index_cast %add3A_173 : i32 to index
      %swap3A_175 = tpu.vector_load %arg7[%swap3A_174] {strides = array<i32>} : memref<4096xf32, #tpu.memory_space<vmem>>, vector<16xf32>,
      tpu.vector_store %arg7[%swap3A_174], %broadcast_in_dim3A_6 {strides = array<i32>} : memref<4096xf32, #tpu.memory_space<vmem>>, vector<16xf32>,
      %add3A_176 = arith.constant 112 : i32
      %add3A_177 = arith.addi %mul3A_148, %add3A_176 : i32
      %swap3A_178 = arith.index_cast %add3A_177 : i32 to index
      %swap3A_179 = tpu.vector_load %arg7[%swap3A_178] {strides = array<i32>} : memref<4096xf32, #tpu.memory_space<vmem>>, vector<16xf32>,
      tpu.vector_store %arg7[%swap3A_178], %broadcast_in_dim3A_6 {strides = array<i32>} : memref<4096xf32, #tpu.memory_space<vmem>>, vector<16xf32>,
    }
    %scan3A_11 = arith.constant 32 : i32
    %dma_wait3A = tpu.memref_slice %arg2[%mul3A_2] : memref<204800xi32, #tpu.memory_space<hbm>> -> memref<6400xi32, #tpu.memory_space<hbm>>
    %dma_wait3A_12 = tpu.memref_slice %arg2[%mul3A_2] : memref<204800xi32, #tpu.memory_space<hbm>> -> memref<6400xi32, #tpu.memory_space<hbm>>
    tpu.wait_dma2 semaphore(%arg8 : memref<!tpu.dma_semaphore, #tpu.memory_space<semaphore_mem>>) src(%dma_wait3A_12 : memref<6400xi32, #tpu.memory_space<hbm>>) dst(%arg5 : memref<6400xi32, #tpu.memory_space<vmem>>)
    %dma_wait3A_13 = tpu.memref_slice %arg3[%mul3A_2] : memref<204800xi32, #tpu.memory_space<hbm>> -> memref<6400xi32, #tpu.memory_space<hbm>>
    %dma_wait3A_14 = tpu.memref_slice %arg3[%mul3A_2] : memref<204800xi32, #tpu.memory_space<hbm>> -> memref<6400xi32, #tpu.memory_space<hbm>>
    tpu.wait_dma2 semaphore(%arg9 : memref<!tpu.dma_semaphore, #tpu.memory_space<semaphore_mem>>) src(%dma_wait3A_14 : memref<6400xi32, #tpu.memory_space<hbm>>) dst(%arg6 : memref<6400xi32, #tpu.memory_space<vmem>>)
    %broadcast_in_dim3A_15 = arith.constant 1.000000e+00 : f32
    %broadcast_in_dim3A_16 = vector.broadcast %broadcast_in_dim3A_15 : f32 to vector<16xf32>
    %iota3A = tpu.iota {dimensions = array<i32: 0>} : vector<16xi32>
    %mul3A_17 = arith.constant 50 : i32
    %mul3A_18 = vector.broadcast %mul3A_17 : i32 to vector<16xi32>
    %mul3A_19 = arith.muli %iota3A, %mul3A_18 : vector<16xi32>
    %iota3A_20 = tpu.iota {dimensions = array<i32: 0>} : vector<16xi32>
    %mul3A_21 = arith.constant 32 : i32
    %mul3A_22 = vector.broadcast %mul3A_21 : i32 to vector<16xi32>
    %mul3A_23 = arith.muli %iota3A_20, %mul3A_22 : vector<16xi32>
    %add3A_24 = arith.constant 0 : i32
    %add3A_25 = vector.broadcast %add3A_24 : i32 to vector<16xi32>
    %add3A_26 = arith.addi %mul3A_19, %add3A_25 : vector<16xi32>
    %add3A_27 = arith.constant 0 : i32
    %add3A_28 = vector.broadcast %add3A_27 : i32 to vector<16xi32>
    %add3A_29 = arith.addi %mul3A_23, %add3A_28 : vector<16xi32>
    %add3A_30 = arith.constant 27 : i32
    %add3A_31 = vector.broadcast %add3A_30 : i32 to vector<16xi32>
    %add3A_32 = arith.addi %add3A_29, %add3A_31 : vector<16xi32>
    %scan3A_33 = arith.constant 0 : i32
    %scan3A_34 = arith.constant 0 : i32
    %scan3A_35 = arith.constant 5 : i32
    %scan3A_36 = arith.addi %scan3A_34, %scan3A_35 : i32
    %scan3A_37 = arith.constant 1 : i32
    scf.for %scan3A_146 = %scan3A_34 to %scan3A_36 step %scan3A_37  : i32 {
      %mul3A_147 = arith.constant 10 : i32
      %mul3A_148 = arith.muli %scan3A_146, %mul3A_147 : i32
      %add3A_149 = vector.broadcast %mul3A_148 : i32 to vector<16xi32>
      %add3A_150 = arith.addi %add3A_26, %add3A_149 : vector<16xi32>
      %add3A_151 = arith.constant 0 : i32
      %add3A_152 = vector.broadcast %add3A_151 : i32 to vector<16xi32>
      %add3A_153 = arith.addi %add3A_150, %add3A_152 : vector<16xi32>
      %gather3A = tpu.vector_load_idx %arg5[%add3A_153] : memref<6400xi32, #tpu.memory_space<vmem>>[vector<16xi32>], vector<16xi32>,
      %add3A_154 = arith.addi %gather3A, %add3A_29 : vector<16xi32>
      tpu.vector_store_idx %arg7[%add3A_154], %broadcast_in_dim3A_16 {add = true} : memref<4096xf32, #tpu.memory_space<vmem>>[vector<16xi32>], vector<16xf32>,
      %add3A_155 = arith.constant 0 : i32
      %add3A_156 = vector.broadcast %add3A_155 : i32 to vector<16xi32>
      %add3A_157 = arith.addi %add3A_150, %add3A_156 : vector<16xi32>
      %gather3A_158 = tpu.vector_load_idx %arg6[%add3A_157] : memref<6400xi32, #tpu.memory_space<vmem>>[vector<16xi32>], vector<16xi32>,
      %add3A_159 = arith.addi %gather3A_158, %add3A_32 : vector<16xi32>
      tpu.vector_store_idx %arg7[%add3A_159], %broadcast_in_dim3A_16 {add = true} : memref<4096xf32, #tpu.memory_space<vmem>>[vector<16xi32>], vector<16xf32>,
      %add3A_160 = arith.constant 1 : i32
      %add3A_161 = vector.broadcast %add3A_160 : i32 to vector<16xi32>
      %add3A_162 = arith.addi %add3A_150, %add3A_161 : vector<16xi32>
      %gather3A_163 = tpu.vector_load_idx %arg5[%add3A_162] : memref<6400xi32, #tpu.memory_space<vmem>>[vector<16xi32>], vector<16xi32>,
      %add3A_164 = arith.addi %gather3A_163, %add3A_29 : vector<16xi32>
      tpu.vector_store_idx %arg7[%add3A_164], %broadcast_in_dim3A_16 {add = true} : memref<4096xf32, #tpu.memory_space<vmem>>[vector<16xi32>], vector<16xf32>,
      %add3A_165 = arith.constant 1 : i32
      %add3A_166 = vector.broadcast %add3A_165 : i32 to vector<16xi32>
      %add3A_167 = arith.addi %add3A_150, %add3A_166 : vector<16xi32>
      %gather3A_168 = tpu.vector_load_idx %arg6[%add3A_167] : memref<6400xi32, #tpu.memory_space<vmem>>[vector<16xi32>], vector<16xi32>,
      %add3A_169 = arith.addi %gather3A_168, %add3A_32 : vector<16xi32>
      tpu.vector_store_idx %arg7[%add3A_169], %broadcast_in_dim3A_16 {add = true} : memref<4096xf32, #tpu.memory_space<vmem>>[vector<16xi32>], vector<16xf32>,
      %add3A_170 = arith.constant 2 : i32
      %add3A_171 = vector.broadcast %add3A_170 : i32 to vector<16xi32>
      %add3A_172 = arith.addi %add3A_150, %add3A_171 : vector<16xi32>
      %gather3A_173 = tpu.vector_load_idx %arg5[%add3A_172] : memref<6400xi32, #tpu.memory_space<vmem>>[vector<16xi32>], vector<16xi32>,
      %add3A_174 = arith.addi %gather3A_173, %add3A_29 : vector<16xi32>
      tpu.vector_store_idx %arg7[%add3A_174], %broadcast_in_dim3A_16 {add = true} : memref<4096xf32, #tpu.memory_space<vmem>>[vector<16xi32>], vector<16xf32>,
      %add3A_175 = arith.constant 2 : i32
      %add3A_176 = vector.broadcast %add3A_175 : i32 to vector<16xi32>
      %add3A_177 = arith.addi %add3A_150, %add3A_176 : vector<16xi32>
      %gather3A_178 = tpu.vector_load_idx %arg6[%add3A_177] : memref<6400xi32, #tpu.memory_space<vmem>>[vector<16xi32>], vector<16xi32>,
      %add3A_179 = arith.addi %gather3A_178, %add3A_32 : vector<16xi32>
      tpu.vector_store_idx %arg7[%add3A_179], %broadcast_in_dim3A_16 {add = true} : memref<4096xf32, #tpu.memory_space<vmem>>[vector<16xi32>], vector<16xf32>,
      %add3A_180 = arith.constant 3 : i32
      %add3A_181 = vector.broadcast %add3A_180 : i32 to vector<16xi32>
      %add3A_182 = arith.addi %add3A_150, %add3A_181 : vector<16xi32>
      %gather3A_183 = tpu.vector_load_idx %arg5[%add3A_182] : memref<6400xi32, #tpu.memory_space<vmem>>[vector<16xi32>], vector<16xi32>,
      %add3A_184 = arith.addi %gather3A_183, %add3A_29 : vector<16xi32>
      tpu.vector_store_idx %arg7[%add3A_184], %broadcast_in_dim3A_16 {add = true} : memref<4096xf32, #tpu.memory_space<vmem>>[vector<16xi32>], vector<16xf32>,
      %add3A_185 = arith.constant 3 : i32
      %add3A_186 = vector.broadcast %add3A_185 : i32 to vector<16xi32>
      %add3A_187 = arith.addi %add3A_150, %add3A_186 : vector<16xi32>
      %gather3A_188 = tpu.vector_load_idx %arg6[%add3A_187] : memref<6400xi32, #tpu.memory_space<vmem>>[vector<16xi32>], vector<16xi32>,
      %add3A_189 = arith.addi %gather3A_188, %add3A_32 : vector<16xi32>
      tpu.vector_store_idx %arg7[%add3A_189], %broadcast_in_dim3A_16 {add = true} : memref<4096xf32, #tpu.memory_space<vmem>>[vector<16xi32>], vector<16xf32>,
      %add3A_190 = arith.constant 4 : i32
      %add3A_191 = vector.broadcast %add3A_190 : i32 to vector<16xi32>
      %add3A_192 = arith.addi %add3A_150, %add3A_191 : vector<16xi32>
      %gather3A_193 = tpu.vector_load_idx %arg5[%add3A_192] : memref<6400xi32, #tpu.memory_space<vmem>>[vector<16xi32>], vector<16xi32>,
      %add3A_194 = arith.addi %gather3A_193, %add3A_29 : vector<16xi32>
      tpu.vector_store_idx %arg7[%add3A_194], %broadcast_in_dim3A_16 {add = true} : memref<4096xf32, #tpu.memory_space<vmem>>[vector<16xi32>], vector<16xf32>,
      %add3A_195 = arith.constant 4 : i32
      %add3A_196 = vector.broadcast %add3A_195 : i32 to vector<16xi32>
      %add3A_197 = arith.addi %add3A_150, %add3A_196 : vector<16xi32>
      %gather3A_198 = tpu.vector_load_idx %arg6[%add3A_197] : memref<6400xi32, #tpu.memory_space<vmem>>[vector<16xi32>], vector<16xi32>,
      %add3A_199 = arith.addi %gather3A_198, %add3A_32 : vector<16xi32>
      tpu.vector_store_idx %arg7[%add3A_199], %broadcast_in_dim3A_16 {add = true} : memref<4096xf32, #tpu.memory_space<vmem>>[vector<16xi32>], vector<16xf32>,
      %add3A_200 = arith.constant 5 : i32
      %add3A_201 = vector.broadcast %add3A_200 : i32 to vector<16xi32>
      %add3A_202 = arith.addi %add3A_150, %add3A_201 : vector<16xi32>
      %gather3A_203 = tpu.vector_load_idx %arg5[%add3A_202] : memref<6400xi32, #tpu.memory_space<vmem>>[vector<16xi32>], vector<16xi32>,
      %add3A_204 = arith.addi %gather3A_203, %add3A_29 : vector<16xi32>
      tpu.vector_store_idx %arg7[%add3A_204], %broadcast_in_dim3A_16 {add = true} : memref<4096xf32, #tpu.memory_space<vmem>>[vector<16xi32>], vector<16xf32>,
      %add3A_205 = arith.constant 5 : i32
      %add3A_206 = vector.broadcast %add3A_205 : i32 to vector<16xi32>
      %add3A_207 = arith.addi %add3A_150, %add3A_206 : vector<16xi32>
      %gather3A_208 = tpu.vector_load_idx %arg6[%add3A_207] : memref<6400xi32, #tpu.memory_space<vmem>>[vector<16xi32>], vector<16xi32>,
      %add3A_209 = arith.addi %gather3A_208, %add3A_32 : vector<16xi32>
      tpu.vector_store_idx %arg7[%add3A_209], %broadcast_in_dim3A_16 {add = true} : memref<4096xf32, #tpu.memory_space<vmem>>[vector<16xi32>], vector<16xf32>,
      %add3A_210 = arith.constant 6 : i32
      %add3A_211 = vector.broadcast %add3A_210 : i32 to vector<16xi32>
      %add3A_212 = arith.addi %add3A_150, %add3A_211 : vector<16xi32>
      %gather3A_213 = tpu.vector_load_idx %arg5[%add3A_212] : memref<6400xi32, #tpu.memory_space<vmem>>[vector<16xi32>], vector<16xi32>,
      %add3A_214 = arith.addi %gather3A_213, %add3A_29 : vector<16xi32>
      tpu.vector_store_idx %arg7[%add3A_214], %broadcast_in_dim3A_16 {add = true} : memref<4096xf32, #tpu.memory_space<vmem>>[vector<16xi32>], vector<16xf32>,
      %add3A_215 = arith.constant 6 : i32
      %add3A_216 = vector.broadcast %add3A_215 : i32 to vector<16xi32>
      %add3A_217 = arith.addi %add3A_150, %add3A_216 : vector<16xi32>
      %gather3A_218 = tpu.vector_load_idx %arg6[%add3A_217] : memref<6400xi32, #tpu.memory_space<vmem>>[vector<16xi32>], vector<16xi32>,
      %add3A_219 = arith.addi %gather3A_218, %add3A_32 : vector<16xi32>
      tpu.vector_store_idx %arg7[%add3A_219], %broadcast_in_dim3A_16 {add = true} : memref<4096xf32, #tpu.memory_space<vmem>>[vector<16xi32>], vector<16xf32>,
      %add3A_220 = arith.constant 7 : i32
      %add3A_221 = vector.broadcast %add3A_220 : i32 to vector<16xi32>
      %add3A_222 = arith.addi %add3A_150, %add3A_221 : vector<16xi32>
      %gather3A_223 = tpu.vector_load_idx %arg5[%add3A_222] : memref<6400xi32, #tpu.memory_space<vmem>>[vector<16xi32>], vector<16xi32>,
      %add3A_224 = arith.addi %gather3A_223, %add3A_29 : vector<16xi32>
      tpu.vector_store_idx %arg7[%add3A_224], %broadcast_in_dim3A_16 {add = true} : memref<4096xf32, #tpu.memory_space<vmem>>[vector<16xi32>], vector<16xf32>,
      %add3A_225 = arith.constant 7 : i32
      %add3A_226 = vector.broadcast %add3A_225 : i32 to vector<16xi32>
      %add3A_227 = arith.addi %add3A_150, %add3A_226 : vector<16xi32>
      %gather3A_228 = tpu.vector_load_idx %arg6[%add3A_227] : memref<6400xi32, #tpu.memory_space<vmem>>[vector<16xi32>], vector<16xi32>,
      %add3A_229 = arith.addi %gather3A_228, %add3A_32 : vector<16xi32>
      tpu.vector_store_idx %arg7[%add3A_229], %broadcast_in_dim3A_16 {add = true} : memref<4096xf32, #tpu.memory_space<vmem>>[vector<16xi32>], vector<16xf32>,
      %add3A_230 = arith.constant 8 : i32
      %add3A_231 = vector.broadcast %add3A_230 : i32 to vector<16xi32>
      %add3A_232 = arith.addi %add3A_150, %add3A_231 : vector<16xi32>
      %gather3A_233 = tpu.vector_load_idx %arg5[%add3A_232] : memref<6400xi32, #tpu.memory_space<vmem>>[vector<16xi32>], vector<16xi32>,
      %add3A_234 = arith.addi %gather3A_233, %add3A_29 : vector<16xi32>
      tpu.vector_store_idx %arg7[%add3A_234], %broadcast_in_dim3A_16 {add = true} : memref<4096xf32, #tpu.memory_space<vmem>>[vector<16xi32>], vector<16xf32>,
      %add3A_235 = arith.constant 8 : i32
      %add3A_236 = vector.broadcast %add3A_235 : i32 to vector<16xi32>
      %add3A_237 = arith.addi %add3A_150, %add3A_236 : vector<16xi32>
      %gather3A_238 = tpu.vector_load_idx %arg6[%add3A_237] : memref<6400xi32, #tpu.memory_space<vmem>>[vector<16xi32>], vector<16xi32>,
      %add3A_239 = arith.addi %gather3A_238, %add3A_32 : vector<16xi32>
      tpu.vector_store_idx %arg7[%add3A_239], %broadcast_in_dim3A_16 {add = true} : memref<4096xf32, #tpu.memory_space<vmem>>[vector<16xi32>], vector<16xf32>,
      %add3A_240 = arith.constant 9 : i32
      %add3A_241 = vector.broadcast %add3A_240 : i32 to vector<16xi32>
      %add3A_242 = arith.addi %add3A_150, %add3A_241 : vector<16xi32>
      %gather3A_243 = tpu.vector_load_idx %arg5[%add3A_242] : memref<6400xi32, #tpu.memory_space<vmem>>[vector<16xi32>], vector<16xi32>,
      %add3A_244 = arith.addi %gather3A_243, %add3A_29 : vector<16xi32>
      tpu.vector_store_idx %arg7[%add3A_244], %broadcast_in_dim3A_16 {add = true} : memref<4096xf32, #tpu.memory_space<vmem>>[vector<16xi32>], vector<16xf32>,
      %add3A_245 = arith.constant 9 : i32
      %add3A_246 = vector.broadcast %add3A_245 : i32 to vector<16xi32>
      %add3A_247 = arith.addi %add3A_150, %add3A_246 : vector<16xi32>
      %gather3A_248 = tpu.vector_load_idx %arg6[%add3A_247] : memref<6400xi32, #tpu.memory_space<vmem>>[vector<16xi32>], vector<16xi32>,
      %add3A_249 = arith.addi %gather3A_248, %add3A_32 : vector<16xi32>
      tpu.vector_store_idx %arg7[%add3A_249], %broadcast_in_dim3A_16 {add = true} : memref<4096xf32, #tpu.memory_space<vmem>>[vector<16xi32>], vector<16xf32>,
    }
    %scan3A_38 = arith.constant 5 : i32
    %add3A_39 = arith.constant 800 : i32
    %add3A_40 = vector.broadcast %add3A_39 : i32 to vector<16xi32>
    %add3A_41 = arith.addi %mul3A_19, %add3A_40 : vector<16xi32>
    %add3A_42 = arith.constant 512 : i32
    %add3A_43 = vector.broadcast %add3A_42 : i32 to vector<16xi32>
    %add3A_44 = arith.addi %mul3A_23, %add3A_43 : vector<16xi32>
    %add3A_45 = arith.constant 27 : i32
    %add3A_46 = vector.broadcast %add3A_45 : i32 to vector<16xi32>
    %add3A_47 = arith.addi %add3A_44, %add3A_46 : vector<16xi32>
    %scan3A_48 = arith.constant 0 : i32
    %scan3A_49 = arith.constant 0 : i32
    %scan3A_50 = arith.constant 5 : i32
    %scan3A_51 = arith.addi %scan3A_49, %scan3A_50 : i32
    %scan3A_52 = arith.constant 1 : i32
    scf.for %scan3A_146 = %scan3A_49 to %scan3A_51 step %scan3A_52  : i32 {
      %mul3A_147 = arith.constant 10 : i32
      %mul3A_148 = arith.muli %scan3A_146, %mul3A_147 : i32
      %add3A_149 = vector.broadcast %mul3A_148 : i32 to vector<16xi32>
      %add3A_150 = arith.addi %add3A_41, %add3A_149 : vector<16xi32>
      %add3A_151 = arith.constant 0 : i32
      %add3A_152 = vector.broadcast %add3A_151 : i32 to vector<16xi32>
      %add3A_153 = arith.addi %add3A_150, %add3A_152 : vector<16xi32>
      %gather3A = tpu.vector_load_idx %arg5[%add3A_153] : memref<6400xi32, #tpu.memory_space<vmem>>[vector<16xi32>], vector<16xi32>,
      %add3A_154 = arith.addi %gather3A, %add3A_44 : vector<16xi32>
      tpu.vector_store_idx %arg7[%add3A_154], %broadcast_in_dim3A_16 {add = true} : memref<4096xf32, #tpu.memory_space<vmem>>[vector<16xi32>], vector<16xf32>,
      %add3A_155 = arith.constant 0 : i32
      %add3A_156 = vector.broadcast %add3A_155 : i32 to vector<16xi32>
      %add3A_157 = arith.addi %add3A_150, %add3A_156 : vector<16xi32>
      %gather3A_158 = tpu.vector_load_idx %arg6[%add3A_157] : memref<6400xi32, #tpu.memory_space<vmem>>[vector<16xi32>], vector<16xi32>,
      %add3A_159 = arith.addi %gather3A_158, %add3A_47 : vector<16xi32>
      tpu.vector_store_idx %arg7[%add3A_159], %broadcast_in_dim3A_16 {add = true} : memref<4096xf32, #tpu.memory_space<vmem>>[vector<16xi32>], vector<16xf32>,
      %add3A_160 = arith.constant 1 : i32
      %add3A_161 = vector.broadcast %add3A_160 : i32 to vector<16xi32>
      %add3A_162 = arith.addi %add3A_150, %add3A_161 : vector<16xi32>
      %gather3A_163 = tpu.vector_load_idx %arg5[%add3A_162] : memref<6400xi32, #tpu.memory_space<vmem>>[vector<16xi32>], vector<16xi32>,
      %add3A_164 = arith.addi %gather3A_163, %add3A_44 : vector<16xi32>
      tpu.vector_store_idx %arg7[%add3A_164], %broadcast_in_dim3A_16 {add = true} : memref<4096xf32, #tpu.memory_space<vmem>>[vector<16xi32>], vector<16xf32>,
      %add3A_165 = arith.constant 1 : i32
      %add3A_166 = vector.broadcast %add3A_165 : i32 to vector<16xi32>
      %add3A_167 = arith.addi %add3A_150, %add3A_166 : vector<16xi32>
      %gather3A_168 = tpu.vector_load_idx %arg6[%add3A_167] : memref<6400xi32, #tpu.memory_space<vmem>>[vector<16xi32>], vector<16xi32>,
      %add3A_169 = arith.addi %gather3A_168, %add3A_47 : vector<16xi32>
      tpu.vector_store_idx %arg7[%add3A_169], %broadcast_in_dim3A_16 {add = true} : memref<4096xf32, #tpu.memory_space<vmem>>[vector<16xi32>], vector<16xf32>,
      %add3A_170 = arith.constant 2 : i32
      %add3A_171 = vector.broadcast %add3A_170 : i32 to vector<16xi32>
      %add3A_172 = arith.addi %add3A_150, %add3A_171 : vector<16xi32>
      %gather3A_173 = tpu.vector_load_idx %arg5[%add3A_172] : memref<6400xi32, #tpu.memory_space<vmem>>[vector<16xi32>], vector<16xi32>,
      %add3A_174 = arith.addi %gather3A_173, %add3A_44 : vector<16xi32>
      tpu.vector_store_idx %arg7[%add3A_174], %broadcast_in_dim3A_16 {add = true} : memref<4096xf32, #tpu.memory_space<vmem>>[vector<16xi32>], vector<16xf32>,
      %add3A_175 = arith.constant 2 : i32
      %add3A_176 = vector.broadcast %add3A_175 : i32 to vector<16xi32>
      %add3A_177 = arith.addi %add3A_150, %add3A_176 : vector<16xi32>
      %gather3A_178 = tpu.vector_load_idx %arg6[%add3A_177] : memref<6400xi32, #tpu.memory_space<vmem>>[vector<16xi32>], vector<16xi32>,
      %add3A_179 = arith.addi %gather3A_178, %add3A_47 : vector<16xi32>
      tpu.vector_store_idx %arg7[%add3A_179], %broadcast_in_dim3A_16 {add = true} : memref<4096xf32, #tpu.memory_space<vmem>>[vector<16xi32>], vector<16xf32>,
      %add3A_180 = arith.constant 3 : i32
      %add3A_181 = vector.broadcast %add3A_180 : i32 to vector<16xi32>
      %add3A_182 = arith.addi %add3A_150, %add3A_181 : vector<16xi32>
      %gather3A_183 = tpu.vector_load_idx %arg5[%add3A_182] : memref<6400xi32, #tpu.memory_space<vmem>>[vector<16xi32>], vector<16xi32>,
      %add3A_184 = arith.addi %gather3A_183, %add3A_44 : vector<16xi32>
      tpu.vector_store_idx %arg7[%add3A_184], %broadcast_in_dim3A_16 {add = true} : memref<4096xf32, #tpu.memory_space<vmem>>[vector<16xi32>], vector<16xf32>,
      %add3A_185 = arith.constant 3 : i32
      %add3A_186 = vector.broadcast %add3A_185 : i32 to vector<16xi32>
      %add3A_187 = arith.addi %add3A_150, %add3A_186 : vector<16xi32>
      %gather3A_188 = tpu.vector_load_idx %arg6[%add3A_187] : memref<6400xi32, #tpu.memory_space<vmem>>[vector<16xi32>], vector<16xi32>,
      %add3A_189 = arith.addi %gather3A_188, %add3A_47 : vector<16xi32>
      tpu.vector_store_idx %arg7[%add3A_189], %broadcast_in_dim3A_16 {add = true} : memref<4096xf32, #tpu.memory_space<vmem>>[vector<16xi32>], vector<16xf32>,
      %add3A_190 = arith.constant 4 : i32
      %add3A_191 = vector.broadcast %add3A_190 : i32 to vector<16xi32>
      %add3A_192 = arith.addi %add3A_150, %add3A_191 : vector<16xi32>
      %gather3A_193 = tpu.vector_load_idx %arg5[%add3A_192] : memref<6400xi32, #tpu.memory_space<vmem>>[vector<16xi32>], vector<16xi32>,
      %add3A_194 = arith.addi %gather3A_193, %add3A_44 : vector<16xi32>
      tpu.vector_store_idx %arg7[%add3A_194], %broadcast_in_dim3A_16 {add = true} : memref<4096xf32, #tpu.memory_space<vmem>>[vector<16xi32>], vector<16xf32>,
      %add3A_195 = arith.constant 4 : i32
      %add3A_196 = vector.broadcast %add3A_195 : i32 to vector<16xi32>
      %add3A_197 = arith.addi %add3A_150, %add3A_196 : vector<16xi32>
      %gather3A_198 = tpu.vector_load_idx %arg6[%add3A_197] : memref<6400xi32, #tpu.memory_space<vmem>>[vector<16xi32>], vector<16xi32>,
      %add3A_199 = arith.addi %gather3A_198, %add3A_47 : vector<16xi32>
      tpu.vector_store_idx %arg7[%add3A_199], %broadcast_in_dim3A_16 {add = true} : memref<4096xf32, #tpu.memory_space<vmem>>[vector<16xi32>], vector<16xf32>,
      %add3A_200 = arith.constant 5 : i32
      %add3A_201 = vector.broadcast %add3A_200 : i32 to vector<16xi32>
      %add3A_202 = arith.addi %add3A_150, %add3A_201 : vector<16xi32>
      %gather3A_203 = tpu.vector_load_idx %arg5[%add3A_202] : memref<6400xi32, #tpu.memory_space<vmem>>[vector<16xi32>], vector<16xi32>,
      %add3A_204 = arith.addi %gather3A_203, %add3A_44 : vector<16xi32>
      tpu.vector_store_idx %arg7[%add3A_204], %broadcast_in_dim3A_16 {add = true} : memref<4096xf32, #tpu.memory_space<vmem>>[vector<16xi32>], vector<16xf32>,
      %add3A_205 = arith.constant 5 : i32
      %add3A_206 = vector.broadcast %add3A_205 : i32 to vector<16xi32>
      %add3A_207 = arith.addi %add3A_150, %add3A_206 : vector<16xi32>
      %gather3A_208 = tpu.vector_load_idx %arg6[%add3A_207] : memref<6400xi32, #tpu.memory_space<vmem>>[vector<16xi32>], vector<16xi32>,
      %add3A_209 = arith.addi %gather3A_208, %add3A_47 : vector<16xi32>
      tpu.vector_store_idx %arg7[%add3A_209], %broadcast_in_dim3A_16 {add = true} : memref<4096xf32, #tpu.memory_space<vmem>>[vector<16xi32>], vector<16xf32>,
      %add3A_210 = arith.constant 6 : i32
      %add3A_211 = vector.broadcast %add3A_210 : i32 to vector<16xi32>
      %add3A_212 = arith.addi %add3A_150, %add3A_211 : vector<16xi32>
      %gather3A_213 = tpu.vector_load_idx %arg5[%add3A_212] : memref<6400xi32, #tpu.memory_space<vmem>>[vector<16xi32>], vector<16xi32>,
      %add3A_214 = arith.addi %gather3A_213, %add3A_44 : vector<16xi32>
      tpu.vector_store_idx %arg7[%add3A_214], %broadcast_in_dim3A_16 {add = true} : memref<4096xf32, #tpu.memory_space<vmem>>[vector<16xi32>], vector<16xf32>,
      %add3A_215 = arith.constant 6 : i32
      %add3A_216 = vector.broadcast %add3A_215 : i32 to vector<16xi32>
      %add3A_217 = arith.addi %add3A_150, %add3A_216 : vector<16xi32>
      %gather3A_218 = tpu.vector_load_idx %arg6[%add3A_217] : memref<6400xi32, #tpu.memory_space<vmem>>[vector<16xi32>], vector<16xi32>,
      %add3A_219 = arith.addi %gather3A_218, %add3A_47 : vector<16xi32>
      tpu.vector_store_idx %arg7[%add3A_219], %broadcast_in_dim3A_16 {add = true} : memref<4096xf32, #tpu.memory_space<vmem>>[vector<16xi32>], vector<16xf32>,
      %add3A_220 = arith.constant 7 : i32
      %add3A_221 = vector.broadcast %add3A_220 : i32 to vector<16xi32>
      %add3A_222 = arith.addi %add3A_150, %add3A_221 : vector<16xi32>
      %gather3A_223 = tpu.vector_load_idx %arg5[%add3A_222] : memref<6400xi32, #tpu.memory_space<vmem>>[vector<16xi32>], vector<16xi32>,
      %add3A_224 = arith.addi %gather3A_223, %add3A_44 : vector<16xi32>
      tpu.vector_store_idx %arg7[%add3A_224], %broadcast_in_dim3A_16 {add = true} : memref<4096xf32, #tpu.memory_space<vmem>>[vector<16xi32>], vector<16xf32>,
      %add3A_225 = arith.constant 7 : i32
      %add3A_226 = vector.broadcast %add3A_225 : i32 to vector<16xi32>
      %add3A_227 = arith.addi %add3A_150, %add3A_226 : vector<16xi32>
      %gather3A_228 = tpu.vector_load_idx %arg6[%add3A_227] : memref<6400xi32, #tpu.memory_space<vmem>>[vector<16xi32>], vector<16xi32>,
      %add3A_229 = arith.addi %gather3A_228, %add3A_47 : vector<16xi32>
      tpu.vector_store_idx %arg7[%add3A_229], %broadcast_in_dim3A_16 {add = true} : memref<4096xf32, #tpu.memory_space<vmem>>[vector<16xi32>], vector<16xf32>,
      %add3A_230 = arith.constant 8 : i32
      %add3A_231 = vector.broadcast %add3A_230 : i32 to vector<16xi32>
      %add3A_232 = arith.addi %add3A_150, %add3A_231 : vector<16xi32>
      %gather3A_233 = tpu.vector_load_idx %arg5[%add3A_232] : memref<6400xi32, #tpu.memory_space<vmem>>[vector<16xi32>], vector<16xi32>,
      %add3A_234 = arith.addi %gather3A_233, %add3A_44 : vector<16xi32>
      tpu.vector_store_idx %arg7[%add3A_234], %broadcast_in_dim3A_16 {add = true} : memref<4096xf32, #tpu.memory_space<vmem>>[vector<16xi32>], vector<16xf32>,
      %add3A_235 = arith.constant 8 : i32
      %add3A_236 = vector.broadcast %add3A_235 : i32 to vector<16xi32>
      %add3A_237 = arith.addi %add3A_150, %add3A_236 : vector<16xi32>
      %gather3A_238 = tpu.vector_load_idx %arg6[%add3A_237] : memref<6400xi32, #tpu.memory_space<vmem>>[vector<16xi32>], vector<16xi32>,
      %add3A_239 = arith.addi %gather3A_238, %add3A_47 : vector<16xi32>
      tpu.vector_store_idx %arg7[%add3A_239], %broadcast_in_dim3A_16 {add = true} : memref<4096xf32, #tpu.memory_space<vmem>>[vector<16xi32>], vector<16xf32>,
      %add3A_240 = arith.constant 9 : i32
      %add3A_241 = vector.broadcast %add3A_240 : i32 to vector<16xi32>
      %add3A_242 = arith.addi %add3A_150, %add3A_241 : vector<16xi32>
      %gather3A_243 = tpu.vector_load_idx %arg5[%add3A_242] : memref<6400xi32, #tpu.memory_space<vmem>>[vector<16xi32>], vector<16xi32>,
      %add3A_244 = arith.addi %gather3A_243, %add3A_44 : vector<16xi32>
      tpu.vector_store_idx %arg7[%add3A_244], %broadcast_in_dim3A_16 {add = true} : memref<4096xf32, #tpu.memory_space<vmem>>[vector<16xi32>], vector<16xf32>,
      %add3A_245 = arith.constant 9 : i32
      %add3A_246 = vector.broadcast %add3A_245 : i32 to vector<16xi32>
      %add3A_247 = arith.addi %add3A_150, %add3A_246 : vector<16xi32>
      %gather3A_248 = tpu.vector_load_idx %arg6[%add3A_247] : memref<6400xi32, #tpu.memory_space<vmem>>[vector<16xi32>], vector<16xi32>,
      %add3A_249 = arith.addi %gather3A_248, %add3A_47 : vector<16xi32>
      tpu.vector_store_idx %arg7[%add3A_249], %broadcast_in_dim3A_16 {add = true} : memref<4096xf32, #tpu.memory_space<vmem>>[vector<16xi32>], vector<16xf32>,
    }
    %scan3A_53 = arith.constant 5 : i32
    %add3A_54 = arith.constant 1600 : i32
    %add3A_55 = vector.broadcast %add3A_54 : i32 to vector<16xi32>
    %add3A_56 = arith.addi %mul3A_19, %add3A_55 : vector<16xi32>
    %add3A_57 = arith.constant 1024 : i32
    %add3A_58 = vector.broadcast %add3A_57 : i32 to vector<16xi32>
    %add3A_59 = arith.addi %mul3A_23, %add3A_58 : vector<16xi32>
    %add3A_60 = arith.constant 27 : i32
    %add3A_61 = vector.broadcast %add3A_60 : i32 to vector<16xi32>
    %add3A_62 = arith.addi %add3A_59, %add3A_61 : vector<16xi32>
    %scan3A_63 = arith.constant 0 : i32
    %scan3A_64 = arith.constant 0 : i32
    %scan3A_65 = arith.constant 5 : i32
    %scan3A_66 = arith.addi %scan3A_64, %scan3A_65 : i32
    %scan3A_67 = arith.constant 1 : i32
    scf.for %scan3A_146 = %scan3A_64 to %scan3A_66 step %scan3A_67  : i32 {
      %mul3A_147 = arith.constant 10 : i32
      %mul3A_148 = arith.muli %scan3A_146, %mul3A_147 : i32
      %add3A_149 = vector.broadcast %mul3A_148 : i32 to vector<16xi32>
      %add3A_150 = arith.addi %add3A_56, %add3A_149 : vector<16xi32>
      %add3A_151 = arith.constant 0 : i32
      %add3A_152 = vector.broadcast %add3A_151 : i32 to vector<16xi32>
      %add3A_153 = arith.addi %add3A_150, %add3A_152 : vector<16xi32>
      %gather3A = tpu.vector_load_idx %arg5[%add3A_153] : memref<6400xi32, #tpu.memory_space<vmem>>[vector<16xi32>], vector<16xi32>,
      %add3A_154 = arith.addi %gather3A, %add3A_59 : vector<16xi32>
      tpu.vector_store_idx %arg7[%add3A_154], %broadcast_in_dim3A_16 {add = true} : memref<4096xf32, #tpu.memory_space<vmem>>[vector<16xi32>], vector<16xf32>,
      %add3A_155 = arith.constant 0 : i32
      %add3A_156 = vector.broadcast %add3A_155 : i32 to vector<16xi32>
      %add3A_157 = arith.addi %add3A_150, %add3A_156 : vector<16xi32>
      %gather3A_158 = tpu.vector_load_idx %arg6[%add3A_157] : memref<6400xi32, #tpu.memory_space<vmem>>[vector<16xi32>], vector<16xi32>,
      %add3A_159 = arith.addi %gather3A_158, %add3A_62 : vector<16xi32>
      tpu.vector_store_idx %arg7[%add3A_159], %broadcast_in_dim3A_16 {add = true} : memref<4096xf32, #tpu.memory_space<vmem>>[vector<16xi32>], vector<16xf32>,
      %add3A_160 = arith.constant 1 : i32
      %add3A_161 = vector.broadcast %add3A_160 : i32 to vector<16xi32>
      %add3A_162 = arith.addi %add3A_150, %add3A_161 : vector<16xi32>
      %gather3A_163 = tpu.vector_load_idx %arg5[%add3A_162] : memref<6400xi32, #tpu.memory_space<vmem>>[vector<16xi32>], vector<16xi32>,
      %add3A_164 = arith.addi %gather3A_163, %add3A_59 : vector<16xi32>
      tpu.vector_store_idx %arg7[%add3A_164], %broadcast_in_dim3A_16 {add = true} : memref<4096xf32, #tpu.memory_space<vmem>>[vector<16xi32>], vector<16xf32>,
      %add3A_165 = arith.constant 1 : i32
      %add3A_166 = vector.broadcast %add3A_165 : i32 to vector<16xi32>
      %add3A_167 = arith.addi %add3A_150, %add3A_166 : vector<16xi32>
      %gather3A_168 = tpu.vector_load_idx %arg6[%add3A_167] : memref<6400xi32, #tpu.memory_space<vmem>>[vector<16xi32>], vector<16xi32>,
      %add3A_169 = arith.addi %gather3A_168, %add3A_62 : vector<16xi32>
      tpu.vector_store_idx %arg7[%add3A_169], %broadcast_in_dim3A_16 {add = true} : memref<4096xf32, #tpu.memory_space<vmem>>[vector<16xi32>], vector<16xf32>,
      %add3A_170 = arith.constant 2 : i32
      %add3A_171 = vector.broadcast %add3A_170 : i32 to vector<16xi32>
      %add3A_172 = arith.addi %add3A_150, %add3A_171 : vector<16xi32>
      %gather3A_173 = tpu.vector_load_idx %arg5[%add3A_172] : memref<6400xi32, #tpu.memory_space<vmem>>[vector<16xi32>], vector<16xi32>,
      %add3A_174 = arith.addi %gather3A_173, %add3A_59 : vector<16xi32>
      tpu.vector_store_idx %arg7[%add3A_174], %broadcast_in_dim3A_16 {add = true} : memref<4096xf32, #tpu.memory_space<vmem>>[vector<16xi32>], vector<16xf32>,
      %add3A_175 = arith.constant 2 : i32
      %add3A_176 = vector.broadcast %add3A_175 : i32 to vector<16xi32>
      %add3A_177 = arith.addi %add3A_150, %add3A_176 : vector<16xi32>
      %gather3A_178 = tpu.vector_load_idx %arg6[%add3A_177] : memref<6400xi32, #tpu.memory_space<vmem>>[vector<16xi32>], vector<16xi32>,
      %add3A_179 = arith.addi %gather3A_178, %add3A_62 : vector<16xi32>
      tpu.vector_store_idx %arg7[%add3A_179], %broadcast_in_dim3A_16 {add = true} : memref<4096xf32, #tpu.memory_space<vmem>>[vector<16xi32>], vector<16xf32>,
      %add3A_180 = arith.constant 3 : i32
      %add3A_181 = vector.broadcast %add3A_180 : i32 to vector<16xi32>
      %add3A_182 = arith.addi %add3A_150, %add3A_181 : vector<16xi32>
      %gather3A_183 = tpu.vector_load_idx %arg5[%add3A_182] : memref<6400xi32, #tpu.memory_space<vmem>>[vector<16xi32>], vector<16xi32>,
      %add3A_184 = arith.addi %gather3A_183, %add3A_59 : vector<16xi32>
      tpu.vector_store_idx %arg7[%add3A_184], %broadcast_in_dim3A_16 {add = true} : memref<4096xf32, #tpu.memory_space<vmem>>[vector<16xi32>], vector<16xf32>,
      %add3A_185 = arith.constant 3 : i32
      %add3A_186 = vector.broadcast %add3A_185 : i32 to vector<16xi32>
      %add3A_187 = arith.addi %add3A_150, %add3A_186 : vector<16xi32>
      %gather3A_188 = tpu.vector_load_idx %arg6[%add3A_187] : memref<6400xi32, #tpu.memory_space<vmem>>[vector<16xi32>], vector<16xi32>,
      %add3A_189 = arith.addi %gather3A_188, %add3A_62 : vector<16xi32>
      tpu.vector_store_idx %arg7[%add3A_189], %broadcast_in_dim3A_16 {add = true} : memref<4096xf32, #tpu.memory_space<vmem>>[vector<16xi32>], vector<16xf32>,
      %add3A_190 = arith.constant 4 : i32
      %add3A_191 = vector.broadcast %add3A_190 : i32 to vector<16xi32>
      %add3A_192 = arith.addi %add3A_150, %add3A_191 : vector<16xi32>
      %gather3A_193 = tpu.vector_load_idx %arg5[%add3A_192] : memref<6400xi32, #tpu.memory_space<vmem>>[vector<16xi32>], vector<16xi32>,
      %add3A_194 = arith.addi %gather3A_193, %add3A_59 : vector<16xi32>
      tpu.vector_store_idx %arg7[%add3A_194], %broadcast_in_dim3A_16 {add = true} : memref<4096xf32, #tpu.memory_space<vmem>>[vector<16xi32>], vector<16xf32>,
      %add3A_195 = arith.constant 4 : i32
      %add3A_196 = vector.broadcast %add3A_195 : i32 to vector<16xi32>
      %add3A_197 = arith.addi %add3A_150, %add3A_196 : vector<16xi32>
      %gather3A_198 = tpu.vector_load_idx %arg6[%add3A_197] : memref<6400xi32, #tpu.memory_space<vmem>>[vector<16xi32>], vector<16xi32>,
      %add3A_199 = arith.addi %gather3A_198, %add3A_62 : vector<16xi32>
      tpu.vector_store_idx %arg7[%add3A_199], %broadcast_in_dim3A_16 {add = true} : memref<4096xf32, #tpu.memory_space<vmem>>[vector<16xi32>], vector<16xf32>,
      %add3A_200 = arith.constant 5 : i32
      %add3A_201 = vector.broadcast %add3A_200 : i32 to vector<16xi32>
      %add3A_202 = arith.addi %add3A_150, %add3A_201 : vector<16xi32>
      %gather3A_203 = tpu.vector_load_idx %arg5[%add3A_202] : memref<6400xi32, #tpu.memory_space<vmem>>[vector<16xi32>], vector<16xi32>,
      %add3A_204 = arith.addi %gather3A_203, %add3A_59 : vector<16xi32>
      tpu.vector_store_idx %arg7[%add3A_204], %broadcast_in_dim3A_16 {add = true} : memref<4096xf32, #tpu.memory_space<vmem>>[vector<16xi32>], vector<16xf32>,
      %add3A_205 = arith.constant 5 : i32
      %add3A_206 = vector.broadcast %add3A_205 : i32 to vector<16xi32>
      %add3A_207 = arith.addi %add3A_150, %add3A_206 : vector<16xi32>
      %gather3A_208 = tpu.vector_load_idx %arg6[%add3A_207] : memref<6400xi32, #tpu.memory_space<vmem>>[vector<16xi32>], vector<16xi32>,
      %add3A_209 = arith.addi %gather3A_208, %add3A_62 : vector<16xi32>
      tpu.vector_store_idx %arg7[%add3A_209], %broadcast_in_dim3A_16 {add = true} : memref<4096xf32, #tpu.memory_space<vmem>>[vector<16xi32>], vector<16xf32>,
      %add3A_210 = arith.constant 6 : i32
      %add3A_211 = vector.broadcast %add3A_210 : i32 to vector<16xi32>
      %add3A_212 = arith.addi %add3A_150, %add3A_211 : vector<16xi32>
      %gather3A_213 = tpu.vector_load_idx %arg5[%add3A_212] : memref<6400xi32, #tpu.memory_space<vmem>>[vector<16xi32>], vector<16xi32>,
      %add3A_214 = arith.addi %gather3A_213, %add3A_59 : vector<16xi32>
      tpu.vector_store_idx %arg7[%add3A_214], %broadcast_in_dim3A_16 {add = true} : memref<4096xf32, #tpu.memory_space<vmem>>[vector<16xi32>], vector<16xf32>,
      %add3A_215 = arith.constant 6 : i32
      %add3A_216 = vector.broadcast %add3A_215 : i32 to vector<16xi32>
      %add3A_217 = arith.addi %add3A_150, %add3A_216 : vector<16xi32>
      %gather3A_218 = tpu.vector_load_idx %arg6[%add3A_217] : memref<6400xi32, #tpu.memory_space<vmem>>[vector<16xi32>], vector<16xi32>,
      %add3A_219 = arith.addi %gather3A_218, %add3A_62 : vector<16xi32>
      tpu.vector_store_idx %arg7[%add3A_219], %broadcast_in_dim3A_16 {add = true} : memref<4096xf32, #tpu.memory_space<vmem>>[vector<16xi32>], vector<16xf32>,
      %add3A_220 = arith.constant 7 : i32
      %add3A_221 = vector.broadcast %add3A_220 : i32 to vector<16xi32>
      %add3A_222 = arith.addi %add3A_150, %add3A_221 : vector<16xi32>
      %gather3A_223 = tpu.vector_load_idx %arg5[%add3A_222] : memref<6400xi32, #tpu.memory_space<vmem>>[vector<16xi32>], vector<16xi32>,
      %add3A_224 = arith.addi %gather3A_223, %add3A_59 : vector<16xi32>
      tpu.vector_store_idx %arg7[%add3A_224], %broadcast_in_dim3A_16 {add = true} : memref<4096xf32, #tpu.memory_space<vmem>>[vector<16xi32>], vector<16xf32>,
      %add3A_225 = arith.constant 7 : i32
      %add3A_226 = vector.broadcast %add3A_225 : i32 to vector<16xi32>
      %add3A_227 = arith.addi %add3A_150, %add3A_226 : vector<16xi32>
      %gather3A_228 = tpu.vector_load_idx %arg6[%add3A_227] : memref<6400xi32, #tpu.memory_space<vmem>>[vector<16xi32>], vector<16xi32>,
      %add3A_229 = arith.addi %gather3A_228, %add3A_62 : vector<16xi32>
      tpu.vector_store_idx %arg7[%add3A_229], %broadcast_in_dim3A_16 {add = true} : memref<4096xf32, #tpu.memory_space<vmem>>[vector<16xi32>], vector<16xf32>,
      %add3A_230 = arith.constant 8 : i32
      %add3A_231 = vector.broadcast %add3A_230 : i32 to vector<16xi32>
      %add3A_232 = arith.addi %add3A_150, %add3A_231 : vector<16xi32>
      %gather3A_233 = tpu.vector_load_idx %arg5[%add3A_232] : memref<6400xi32, #tpu.memory_space<vmem>>[vector<16xi32>], vector<16xi32>,
      %add3A_234 = arith.addi %gather3A_233, %add3A_59 : vector<16xi32>
      tpu.vector_store_idx %arg7[%add3A_234], %broadcast_in_dim3A_16 {add = true} : memref<4096xf32, #tpu.memory_space<vmem>>[vector<16xi32>], vector<16xf32>,
      %add3A_235 = arith.constant 8 : i32
      %add3A_236 = vector.broadcast %add3A_235 : i32 to vector<16xi32>
      %add3A_237 = arith.addi %add3A_150, %add3A_236 : vector<16xi32>
      %gather3A_238 = tpu.vector_load_idx %arg6[%add3A_237] : memref<6400xi32, #tpu.memory_space<vmem>>[vector<16xi32>], vector<16xi32>,
      %add3A_239 = arith.addi %gather3A_238, %add3A_62 : vector<16xi32>
      tpu.vector_store_idx %arg7[%add3A_239], %broadcast_in_dim3A_16 {add = true} : memref<4096xf32, #tpu.memory_space<vmem>>[vector<16xi32>], vector<16xf32>,
      %add3A_240 = arith.constant 9 : i32
      %add3A_241 = vector.broadcast %add3A_240 : i32 to vector<16xi32>
      %add3A_242 = arith.addi %add3A_150, %add3A_241 : vector<16xi32>
      %gather3A_243 = tpu.vector_load_idx %arg5[%add3A_242] : memref<6400xi32, #tpu.memory_space<vmem>>[vector<16xi32>], vector<16xi32>,
      %add3A_244 = arith.addi %gather3A_243, %add3A_59 : vector<16xi32>
      tpu.vector_store_idx %arg7[%add3A_244], %broadcast_in_dim3A_16 {add = true} : memref<4096xf32, #tpu.memory_space<vmem>>[vector<16xi32>], vector<16xf32>,
      %add3A_245 = arith.constant 9 : i32
      %add3A_246 = vector.broadcast %add3A_245 : i32 to vector<16xi32>
      %add3A_247 = arith.addi %add3A_150, %add3A_246 : vector<16xi32>
      %gather3A_248 = tpu.vector_load_idx %arg6[%add3A_247] : memref<6400xi32, #tpu.memory_space<vmem>>[vector<16xi32>], vector<16xi32>,
      %add3A_249 = arith.addi %gather3A_248, %add3A_62 : vector<16xi32>
      tpu.vector_store_idx %arg7[%add3A_249], %broadcast_in_dim3A_16 {add = true} : memref<4096xf32, #tpu.memory_space<vmem>>[vector<16xi32>], vector<16xf32>,
    }
    %scan3A_68 = arith.constant 5 : i32
    %add3A_69 = arith.constant 2400 : i32
    %add3A_70 = vector.broadcast %add3A_69 : i32 to vector<16xi32>
    %add3A_71 = arith.addi %mul3A_19, %add3A_70 : vector<16xi32>
    %add3A_72 = arith.constant 1536 : i32
    %add3A_73 = vector.broadcast %add3A_72 : i32 to vector<16xi32>
    %add3A_74 = arith.addi %mul3A_23, %add3A_73 : vector<16xi32>
    %add3A_75 = arith.constant 27 : i32
    %add3A_76 = vector.broadcast %add3A_75 : i32 to vector<16xi32>
    %add3A_77 = arith.addi %add3A_74, %add3A_76 : vector<16xi32>
    %scan3A_78 = arith.constant 0 : i32
    %scan3A_79 = arith.constant 0 : i32
    %scan3A_80 = arith.constant 5 : i32
    %scan3A_81 = arith.addi %scan3A_79, %scan3A_80 : i32
    %scan3A_82 = arith.constant 1 : i32
    scf.for %scan3A_146 = %scan3A_79 to %scan3A_81 step %scan3A_82  : i32 {
      %mul3A_147 = arith.constant 10 : i32
      %mul3A_148 = arith.muli %scan3A_146, %mul3A_147 : i32
      %add3A_149 = vector.broadcast %mul3A_148 : i32 to vector<16xi32>
      %add3A_150 = arith.addi %add3A_71, %add3A_149 : vector<16xi32>
      %add3A_151 = arith.constant 0 : i32
      %add3A_152 = vector.broadcast %add3A_151 : i32 to vector<16xi32>
      %add3A_153 = arith.addi %add3A_150, %add3A_152 : vector<16xi32>
      %gather3A = tpu.vector_load_idx %arg5[%add3A_153] : memref<6400xi32, #tpu.memory_space<vmem>>[vector<16xi32>], vector<16xi32>,
      %add3A_154 = arith.addi %gather3A, %add3A_74 : vector<16xi32>
      tpu.vector_store_idx %arg7[%add3A_154], %broadcast_in_dim3A_16 {add = true} : memref<4096xf32, #tpu.memory_space<vmem>>[vector<16xi32>], vector<16xf32>,
      %add3A_155 = arith.constant 0 : i32
      %add3A_156 = vector.broadcast %add3A_155 : i32 to vector<16xi32>
      %add3A_157 = arith.addi %add3A_150, %add3A_156 : vector<16xi32>
      %gather3A_158 = tpu.vector_load_idx %arg6[%add3A_157] : memref<6400xi32, #tpu.memory_space<vmem>>[vector<16xi32>], vector<16xi32>,
      %add3A_159 = arith.addi %gather3A_158, %add3A_77 : vector<16xi32>
      tpu.vector_store_idx %arg7[%add3A_159], %broadcast_in_dim3A_16 {add = true} : memref<4096xf32, #tpu.memory_space<vmem>>[vector<16xi32>], vector<16xf32>,
      %add3A_160 = arith.constant 1 : i32
      %add3A_161 = vector.broadcast %add3A_160 : i32 to vector<16xi32>
      %add3A_162 = arith.addi %add3A_150, %add3A_161 : vector<16xi32>
      %gather3A_163 = tpu.vector_load_idx %arg5[%add3A_162] : memref<6400xi32, #tpu.memory_space<vmem>>[vector<16xi32>], vector<16xi32>,
      %add3A_164 = arith.addi %gather3A_163, %add3A_74 : vector<16xi32>
      tpu.vector_store_idx %arg7[%add3A_164], %broadcast_in_dim3A_16 {add = true} : memref<4096xf32, #tpu.memory_space<vmem>>[vector<16xi32>], vector<16xf32>,
      %add3A_165 = arith.constant 1 : i32
      %add3A_166 = vector.broadcast %add3A_165 : i32 to vector<16xi32>
      %add3A_167 = arith.addi %add3A_150, %add3A_166 : vector<16xi32>
      %gather3A_168 = tpu.vector_load_idx %arg6[%add3A_167] : memref<6400xi32, #tpu.memory_space<vmem>>[vector<16xi32>], vector<16xi32>,
      %add3A_169 = arith.addi %gather3A_168, %add3A_77 : vector<16xi32>
      tpu.vector_store_idx %arg7[%add3A_169], %broadcast_in_dim3A_16 {add = true} : memref<4096xf32, #tpu.memory_space<vmem>>[vector<16xi32>], vector<16xf32>,
      %add3A_170 = arith.constant 2 : i32
      %add3A_171 = vector.broadcast %add3A_170 : i32 to vector<16xi32>
      %add3A_172 = arith.addi %add3A_150, %add3A_171 : vector<16xi32>
      %gather3A_173 = tpu.vector_load_idx %arg5[%add3A_172] : memref<6400xi32, #tpu.memory_space<vmem>>[vector<16xi32>], vector<16xi32>,
      %add3A_174 = arith.addi %gather3A_173, %add3A_74 : vector<16xi32>
      tpu.vector_store_idx %arg7[%add3A_174], %broadcast_in_dim3A_16 {add = true} : memref<4096xf32, #tpu.memory_space<vmem>>[vector<16xi32>], vector<16xf32>,
      %add3A_175 = arith.constant 2 : i32
      %add3A_176 = vector.broadcast %add3A_175 : i32 to vector<16xi32>
      %add3A_177 = arith.addi %add3A_150, %add3A_176 : vector<16xi32>
      %gather3A_178 = tpu.vector_load_idx %arg6[%add3A_177] : memref<6400xi32, #tpu.memory_space<vmem>>[vector<16xi32>], vector<16xi32>,
      %add3A_179 = arith.addi %gather3A_178, %add3A_77 : vector<16xi32>
      tpu.vector_store_idx %arg7[%add3A_179], %broadcast_in_dim3A_16 {add = true} : memref<4096xf32, #tpu.memory_space<vmem>>[vector<16xi32>], vector<16xf32>,
      %add3A_180 = arith.constant 3 : i32
      %add3A_181 = vector.broadcast %add3A_180 : i32 to vector<16xi32>
      %add3A_182 = arith.addi %add3A_150, %add3A_181 : vector<16xi32>
      %gather3A_183 = tpu.vector_load_idx %arg5[%add3A_182] : memref<6400xi32, #tpu.memory_space<vmem>>[vector<16xi32>], vector<16xi32>,
      %add3A_184 = arith.addi %gather3A_183, %add3A_74 : vector<16xi32>
      tpu.vector_store_idx %arg7[%add3A_184], %broadcast_in_dim3A_16 {add = true} : memref<4096xf32, #tpu.memory_space<vmem>>[vector<16xi32>], vector<16xf32>,
      %add3A_185 = arith.constant 3 : i32
      %add3A_186 = vector.broadcast %add3A_185 : i32 to vector<16xi32>
      %add3A_187 = arith.addi %add3A_150, %add3A_186 : vector<16xi32>
      %gather3A_188 = tpu.vector_load_idx %arg6[%add3A_187] : memref<6400xi32, #tpu.memory_space<vmem>>[vector<16xi32>], vector<16xi32>,
      %add3A_189 = arith.addi %gather3A_188, %add3A_77 : vector<16xi32>
      tpu.vector_store_idx %arg7[%add3A_189], %broadcast_in_dim3A_16 {add = true} : memref<4096xf32, #tpu.memory_space<vmem>>[vector<16xi32>], vector<16xf32>,
      %add3A_190 = arith.constant 4 : i32
      %add3A_191 = vector.broadcast %add3A_190 : i32 to vector<16xi32>
      %add3A_192 = arith.addi %add3A_150, %add3A_191 : vector<16xi32>
      %gather3A_193 = tpu.vector_load_idx %arg5[%add3A_192] : memref<6400xi32, #tpu.memory_space<vmem>>[vector<16xi32>], vector<16xi32>,
      %add3A_194 = arith.addi %gather3A_193, %add3A_74 : vector<16xi32>
      tpu.vector_store_idx %arg7[%add3A_194], %broadcast_in_dim3A_16 {add = true} : memref<4096xf32, #tpu.memory_space<vmem>>[vector<16xi32>], vector<16xf32>,
      %add3A_195 = arith.constant 4 : i32
      %add3A_196 = vector.broadcast %add3A_195 : i32 to vector<16xi32>
      %add3A_197 = arith.addi %add3A_150, %add3A_196 : vector<16xi32>
      %gather3A_198 = tpu.vector_load_idx %arg6[%add3A_197] : memref<6400xi32, #tpu.memory_space<vmem>>[vector<16xi32>], vector<16xi32>,
      %add3A_199 = arith.addi %gather3A_198, %add3A_77 : vector<16xi32>
      tpu.vector_store_idx %arg7[%add3A_199], %broadcast_in_dim3A_16 {add = true} : memref<4096xf32, #tpu.memory_space<vmem>>[vector<16xi32>], vector<16xf32>,
      %add3A_200 = arith.constant 5 : i32
      %add3A_201 = vector.broadcast %add3A_200 : i32 to vector<16xi32>
      %add3A_202 = arith.addi %add3A_150, %add3A_201 : vector<16xi32>
      %gather3A_203 = tpu.vector_load_idx %arg5[%add3A_202] : memref<6400xi32, #tpu.memory_space<vmem>>[vector<16xi32>], vector<16xi32>,
      %add3A_204 = arith.addi %gather3A_203, %add3A_74 : vector<16xi32>
      tpu.vector_store_idx %arg7[%add3A_204], %broadcast_in_dim3A_16 {add = true} : memref<4096xf32, #tpu.memory_space<vmem>>[vector<16xi32>], vector<16xf32>,
      %add3A_205 = arith.constant 5 : i32
      %add3A_206 = vector.broadcast %add3A_205 : i32 to vector<16xi32>
      %add3A_207 = arith.addi %add3A_150, %add3A_206 : vector<16xi32>
      %gather3A_208 = tpu.vector_load_idx %arg6[%add3A_207] : memref<6400xi32, #tpu.memory_space<vmem>>[vector<16xi32>], vector<16xi32>,
      %add3A_209 = arith.addi %gather3A_208, %add3A_77 : vector<16xi32>
      tpu.vector_store_idx %arg7[%add3A_209], %broadcast_in_dim3A_16 {add = true} : memref<4096xf32, #tpu.memory_space<vmem>>[vector<16xi32>], vector<16xf32>,
      %add3A_210 = arith.constant 6 : i32
      %add3A_211 = vector.broadcast %add3A_210 : i32 to vector<16xi32>
      %add3A_212 = arith.addi %add3A_150, %add3A_211 : vector<16xi32>
      %gather3A_213 = tpu.vector_load_idx %arg5[%add3A_212] : memref<6400xi32, #tpu.memory_space<vmem>>[vector<16xi32>], vector<16xi32>,
      %add3A_214 = arith.addi %gather3A_213, %add3A_74 : vector<16xi32>
      tpu.vector_store_idx %arg7[%add3A_214], %broadcast_in_dim3A_16 {add = true} : memref<4096xf32, #tpu.memory_space<vmem>>[vector<16xi32>], vector<16xf32>,
      %add3A_215 = arith.constant 6 : i32
      %add3A_216 = vector.broadcast %add3A_215 : i32 to vector<16xi32>
      %add3A_217 = arith.addi %add3A_150, %add3A_216 : vector<16xi32>
      %gather3A_218 = tpu.vector_load_idx %arg6[%add3A_217] : memref<6400xi32, #tpu.memory_space<vmem>>[vector<16xi32>], vector<16xi32>,
      %add3A_219 = arith.addi %gather3A_218, %add3A_77 : vector<16xi32>
      tpu.vector_store_idx %arg7[%add3A_219], %broadcast_in_dim3A_16 {add = true} : memref<4096xf32, #tpu.memory_space<vmem>>[vector<16xi32>], vector<16xf32>,
      %add3A_220 = arith.constant 7 : i32
      %add3A_221 = vector.broadcast %add3A_220 : i32 to vector<16xi32>
      %add3A_222 = arith.addi %add3A_150, %add3A_221 : vector<16xi32>
      %gather3A_223 = tpu.vector_load_idx %arg5[%add3A_222] : memref<6400xi32, #tpu.memory_space<vmem>>[vector<16xi32>], vector<16xi32>,
      %add3A_224 = arith.addi %gather3A_223, %add3A_74 : vector<16xi32>
      tpu.vector_store_idx %arg7[%add3A_224], %broadcast_in_dim3A_16 {add = true} : memref<4096xf32, #tpu.memory_space<vmem>>[vector<16xi32>], vector<16xf32>,
      %add3A_225 = arith.constant 7 : i32
      %add3A_226 = vector.broadcast %add3A_225 : i32 to vector<16xi32>
      %add3A_227 = arith.addi %add3A_150, %add3A_226 : vector<16xi32>
      %gather3A_228 = tpu.vector_load_idx %arg6[%add3A_227] : memref<6400xi32, #tpu.memory_space<vmem>>[vector<16xi32>], vector<16xi32>,
      %add3A_229 = arith.addi %gather3A_228, %add3A_77 : vector<16xi32>
      tpu.vector_store_idx %arg7[%add3A_229], %broadcast_in_dim3A_16 {add = true} : memref<4096xf32, #tpu.memory_space<vmem>>[vector<16xi32>], vector<16xf32>,
      %add3A_230 = arith.constant 8 : i32
      %add3A_231 = vector.broadcast %add3A_230 : i32 to vector<16xi32>
      %add3A_232 = arith.addi %add3A_150, %add3A_231 : vector<16xi32>
      %gather3A_233 = tpu.vector_load_idx %arg5[%add3A_232] : memref<6400xi32, #tpu.memory_space<vmem>>[vector<16xi32>], vector<16xi32>,
      %add3A_234 = arith.addi %gather3A_233, %add3A_74 : vector<16xi32>
      tpu.vector_store_idx %arg7[%add3A_234], %broadcast_in_dim3A_16 {add = true} : memref<4096xf32, #tpu.memory_space<vmem>>[vector<16xi32>], vector<16xf32>,
      %add3A_235 = arith.constant 8 : i32
      %add3A_236 = vector.broadcast %add3A_235 : i32 to vector<16xi32>
      %add3A_237 = arith.addi %add3A_150, %add3A_236 : vector<16xi32>
      %gather3A_238 = tpu.vector_load_idx %arg6[%add3A_237] : memref<6400xi32, #tpu.memory_space<vmem>>[vector<16xi32>], vector<16xi32>,
      %add3A_239 = arith.addi %gather3A_238, %add3A_77 : vector<16xi32>
      tpu.vector_store_idx %arg7[%add3A_239], %broadcast_in_dim3A_16 {add = true} : memref<4096xf32, #tpu.memory_space<vmem>>[vector<16xi32>], vector<16xf32>,
      %add3A_240 = arith.constant 9 : i32
      %add3A_241 = vector.broadcast %add3A_240 : i32 to vector<16xi32>
      %add3A_242 = arith.addi %add3A_150, %add3A_241 : vector<16xi32>
      %gather3A_243 = tpu.vector_load_idx %arg5[%add3A_242] : memref<6400xi32, #tpu.memory_space<vmem>>[vector<16xi32>], vector<16xi32>,
      %add3A_244 = arith.addi %gather3A_243, %add3A_74 : vector<16xi32>
      tpu.vector_store_idx %arg7[%add3A_244], %broadcast_in_dim3A_16 {add = true} : memref<4096xf32, #tpu.memory_space<vmem>>[vector<16xi32>], vector<16xf32>,
      %add3A_245 = arith.constant 9 : i32
      %add3A_246 = vector.broadcast %add3A_245 : i32 to vector<16xi32>
      %add3A_247 = arith.addi %add3A_150, %add3A_246 : vector<16xi32>
      %gather3A_248 = tpu.vector_load_idx %arg6[%add3A_247] : memref<6400xi32, #tpu.memory_space<vmem>>[vector<16xi32>], vector<16xi32>,
      %add3A_249 = arith.addi %gather3A_248, %add3A_77 : vector<16xi32>
      tpu.vector_store_idx %arg7[%add3A_249], %broadcast_in_dim3A_16 {add = true} : memref<4096xf32, #tpu.memory_space<vmem>>[vector<16xi32>], vector<16xf32>,
    }
    %scan3A_83 = arith.constant 5 : i32
    %add3A_84 = arith.constant 3200 : i32
    %add3A_85 = vector.broadcast %add3A_84 : i32 to vector<16xi32>
    %add3A_86 = arith.addi %mul3A_19, %add3A_85 : vector<16xi32>
    %add3A_87 = arith.constant 2048 : i32
    %add3A_88 = vector.broadcast %add3A_87 : i32 to vector<16xi32>
    %add3A_89 = arith.addi %mul3A_23, %add3A_88 : vector<16xi32>
    %add3A_90 = arith.constant 27 : i32
    %add3A_91 = vector.broadcast %add3A_90 : i32 to vector<16xi32>
    %add3A_92 = arith.addi %add3A_89, %add3A_91 : vector<16xi32>
    %scan3A_93 = arith.constant 0 : i32
    %scan3A_94 = arith.constant 0 : i32
    %scan3A_95 = arith.constant 5 : i32
    %scan3A_96 = arith.addi %scan3A_94, %scan3A_95 : i32
    %scan3A_97 = arith.constant 1 : i32
    scf.for %scan3A_146 = %scan3A_94 to %scan3A_96 step %scan3A_97  : i32 {
      %mul3A_147 = arith.constant 10 : i32
      %mul3A_148 = arith.muli %scan3A_146, %mul3A_147 : i32
      %add3A_149 = vector.broadcast %mul3A_148 : i32 to vector<16xi32>
      %add3A_150 = arith.addi %add3A_86, %add3A_149 : vector<16xi32>
      %add3A_151 = arith.constant 0 : i32
      %add3A_152 = vector.broadcast %add3A_151 : i32 to vector<16xi32>
      %add3A_153 = arith.addi %add3A_150, %add3A_152 : vector<16xi32>
      %gather3A = tpu.vector_load_idx %arg5[%add3A_153] : memref<6400xi32, #tpu.memory_space<vmem>>[vector<16xi32>], vector<16xi32>,
      %add3A_154 = arith.addi %gather3A, %add3A_89 : vector<16xi32>
      tpu.vector_store_idx %arg7[%add3A_154], %broadcast_in_dim3A_16 {add = true} : memref<4096xf32, #tpu.memory_space<vmem>>[vector<16xi32>], vector<16xf32>,
      %add3A_155 = arith.constant 0 : i32
      %add3A_156 = vector.broadcast %add3A_155 : i32 to vector<16xi32>
      %add3A_157 = arith.addi %add3A_150, %add3A_156 : vector<16xi32>
      %gather3A_158 = tpu.vector_load_idx %arg6[%add3A_157] : memref<6400xi32, #tpu.memory_space<vmem>>[vector<16xi32>], vector<16xi32>,
      %add3A_159 = arith.addi %gather3A_158, %add3A_92 : vector<16xi32>
      tpu.vector_store_idx %arg7[%add3A_159], %broadcast_in_dim3A_16 {add = true} : memref<4096xf32, #tpu.memory_space<vmem>>[vector<16xi32>], vector<16xf32>,
      %add3A_160 = arith.constant 1 : i32
      %add3A_161 = vector.broadcast %add3A_160 : i32 to vector<16xi32>
      %add3A_162 = arith.addi %add3A_150, %add3A_161 : vector<16xi32>
      %gather3A_163 = tpu.vector_load_idx %arg5[%add3A_162] : memref<6400xi32, #tpu.memory_space<vmem>>[vector<16xi32>], vector<16xi32>,
      %add3A_164 = arith.addi %gather3A_163, %add3A_89 : vector<16xi32>
      tpu.vector_store_idx %arg7[%add3A_164], %broadcast_in_dim3A_16 {add = true} : memref<4096xf32, #tpu.memory_space<vmem>>[vector<16xi32>], vector<16xf32>,
      %add3A_165 = arith.constant 1 : i32
      %add3A_166 = vector.broadcast %add3A_165 : i32 to vector<16xi32>
      %add3A_167 = arith.addi %add3A_150, %add3A_166 : vector<16xi32>
      %gather3A_168 = tpu.vector_load_idx %arg6[%add3A_167] : memref<6400xi32, #tpu.memory_space<vmem>>[vector<16xi32>], vector<16xi32>,
      %add3A_169 = arith.addi %gather3A_168, %add3A_92 : vector<16xi32>
      tpu.vector_store_idx %arg7[%add3A_169], %broadcast_in_dim3A_16 {add = true} : memref<4096xf32, #tpu.memory_space<vmem>>[vector<16xi32>], vector<16xf32>,
      %add3A_170 = arith.constant 2 : i32
      %add3A_171 = vector.broadcast %add3A_170 : i32 to vector<16xi32>
      %add3A_172 = arith.addi %add3A_150, %add3A_171 : vector<16xi32>
      %gather3A_173 = tpu.vector_load_idx %arg5[%add3A_172] : memref<6400xi32, #tpu.memory_space<vmem>>[vector<16xi32>], vector<16xi32>,
      %add3A_174 = arith.addi %gather3A_173, %add3A_89 : vector<16xi32>
      tpu.vector_store_idx %arg7[%add3A_174], %broadcast_in_dim3A_16 {add = true} : memref<4096xf32, #tpu.memory_space<vmem>>[vector<16xi32>], vector<16xf32>,
      %add3A_175 = arith.constant 2 : i32
      %add3A_176 = vector.broadcast %add3A_175 : i32 to vector<16xi32>
      %add3A_177 = arith.addi %add3A_150, %add3A_176 : vector<16xi32>
      %gather3A_178 = tpu.vector_load_idx %arg6[%add3A_177] : memref<6400xi32, #tpu.memory_space<vmem>>[vector<16xi32>], vector<16xi32>,
      %add3A_179 = arith.addi %gather3A_178, %add3A_92 : vector<16xi32>
      tpu.vector_store_idx %arg7[%add3A_179], %broadcast_in_dim3A_16 {add = true} : memref<4096xf32, #tpu.memory_space<vmem>>[vector<16xi32>], vector<16xf32>,
      %add3A_180 = arith.constant 3 : i32
      %add3A_181 = vector.broadcast %add3A_180 : i32 to vector<16xi32>
      %add3A_182 = arith.addi %add3A_150, %add3A_181 : vector<16xi32>
      %gather3A_183 = tpu.vector_load_idx %arg5[%add3A_182] : memref<6400xi32, #tpu.memory_space<vmem>>[vector<16xi32>], vector<16xi32>,
      %add3A_184 = arith.addi %gather3A_183, %add3A_89 : vector<16xi32>
      tpu.vector_store_idx %arg7[%add3A_184], %broadcast_in_dim3A_16 {add = true} : memref<4096xf32, #tpu.memory_space<vmem>>[vector<16xi32>], vector<16xf32>,
      %add3A_185 = arith.constant 3 : i32
      %add3A_186 = vector.broadcast %add3A_185 : i32 to vector<16xi32>
      %add3A_187 = arith.addi %add3A_150, %add3A_186 : vector<16xi32>
      %gather3A_188 = tpu.vector_load_idx %arg6[%add3A_187] : memref<6400xi32, #tpu.memory_space<vmem>>[vector<16xi32>], vector<16xi32>,
      %add3A_189 = arith.addi %gather3A_188, %add3A_92 : vector<16xi32>
      tpu.vector_store_idx %arg7[%add3A_189], %broadcast_in_dim3A_16 {add = true} : memref<4096xf32, #tpu.memory_space<vmem>>[vector<16xi32>], vector<16xf32>,
      %add3A_190 = arith.constant 4 : i32
      %add3A_191 = vector.broadcast %add3A_190 : i32 to vector<16xi32>
      %add3A_192 = arith.addi %add3A_150, %add3A_191 : vector<16xi32>
      %gather3A_193 = tpu.vector_load_idx %arg5[%add3A_192] : memref<6400xi32, #tpu.memory_space<vmem>>[vector<16xi32>], vector<16xi32>,
      %add3A_194 = arith.addi %gather3A_193, %add3A_89 : vector<16xi32>
      tpu.vector_store_idx %arg7[%add3A_194], %broadcast_in_dim3A_16 {add = true} : memref<4096xf32, #tpu.memory_space<vmem>>[vector<16xi32>], vector<16xf32>,
      %add3A_195 = arith.constant 4 : i32
      %add3A_196 = vector.broadcast %add3A_195 : i32 to vector<16xi32>
      %add3A_197 = arith.addi %add3A_150, %add3A_196 : vector<16xi32>
      %gather3A_198 = tpu.vector_load_idx %arg6[%add3A_197] : memref<6400xi32, #tpu.memory_space<vmem>>[vector<16xi32>], vector<16xi32>,
      %add3A_199 = arith.addi %gather3A_198, %add3A_92 : vector<16xi32>
      tpu.vector_store_idx %arg7[%add3A_199], %broadcast_in_dim3A_16 {add = true} : memref<4096xf32, #tpu.memory_space<vmem>>[vector<16xi32>], vector<16xf32>,
      %add3A_200 = arith.constant 5 : i32
      %add3A_201 = vector.broadcast %add3A_200 : i32 to vector<16xi32>
      %add3A_202 = arith.addi %add3A_150, %add3A_201 : vector<16xi32>
      %gather3A_203 = tpu.vector_load_idx %arg5[%add3A_202] : memref<6400xi32, #tpu.memory_space<vmem>>[vector<16xi32>], vector<16xi32>,
      %add3A_204 = arith.addi %gather3A_203, %add3A_89 : vector<16xi32>
      tpu.vector_store_idx %arg7[%add3A_204], %broadcast_in_dim3A_16 {add = true} : memref<4096xf32, #tpu.memory_space<vmem>>[vector<16xi32>], vector<16xf32>,
      %add3A_205 = arith.constant 5 : i32
      %add3A_206 = vector.broadcast %add3A_205 : i32 to vector<16xi32>
      %add3A_207 = arith.addi %add3A_150, %add3A_206 : vector<16xi32>
      %gather3A_208 = tpu.vector_load_idx %arg6[%add3A_207] : memref<6400xi32, #tpu.memory_space<vmem>>[vector<16xi32>], vector<16xi32>,
      %add3A_209 = arith.addi %gather3A_208, %add3A_92 : vector<16xi32>
      tpu.vector_store_idx %arg7[%add3A_209], %broadcast_in_dim3A_16 {add = true} : memref<4096xf32, #tpu.memory_space<vmem>>[vector<16xi32>], vector<16xf32>,
      %add3A_210 = arith.constant 6 : i32
      %add3A_211 = vector.broadcast %add3A_210 : i32 to vector<16xi32>
      %add3A_212 = arith.addi %add3A_150, %add3A_211 : vector<16xi32>
      %gather3A_213 = tpu.vector_load_idx %arg5[%add3A_212] : memref<6400xi32, #tpu.memory_space<vmem>>[vector<16xi32>], vector<16xi32>,
      %add3A_214 = arith.addi %gather3A_213, %add3A_89 : vector<16xi32>
      tpu.vector_store_idx %arg7[%add3A_214], %broadcast_in_dim3A_16 {add = true} : memref<4096xf32, #tpu.memory_space<vmem>>[vector<16xi32>], vector<16xf32>,
      %add3A_215 = arith.constant 6 : i32
      %add3A_216 = vector.broadcast %add3A_215 : i32 to vector<16xi32>
      %add3A_217 = arith.addi %add3A_150, %add3A_216 : vector<16xi32>
      %gather3A_218 = tpu.vector_load_idx %arg6[%add3A_217] : memref<6400xi32, #tpu.memory_space<vmem>>[vector<16xi32>], vector<16xi32>,
      %add3A_219 = arith.addi %gather3A_218, %add3A_92 : vector<16xi32>
      tpu.vector_store_idx %arg7[%add3A_219], %broadcast_in_dim3A_16 {add = true} : memref<4096xf32, #tpu.memory_space<vmem>>[vector<16xi32>], vector<16xf32>,
      %add3A_220 = arith.constant 7 : i32
      %add3A_221 = vector.broadcast %add3A_220 : i32 to vector<16xi32>
      %add3A_222 = arith.addi %add3A_150, %add3A_221 : vector<16xi32>
      %gather3A_223 = tpu.vector_load_idx %arg5[%add3A_222] : memref<6400xi32, #tpu.memory_space<vmem>>[vector<16xi32>], vector<16xi32>,
      %add3A_224 = arith.addi %gather3A_223, %add3A_89 : vector<16xi32>
      tpu.vector_store_idx %arg7[%add3A_224], %broadcast_in_dim3A_16 {add = true} : memref<4096xf32, #tpu.memory_space<vmem>>[vector<16xi32>], vector<16xf32>,
      %add3A_225 = arith.constant 7 : i32
      %add3A_226 = vector.broadcast %add3A_225 : i32 to vector<16xi32>
      %add3A_227 = arith.addi %add3A_150, %add3A_226 : vector<16xi32>
      %gather3A_228 = tpu.vector_load_idx %arg6[%add3A_227] : memref<6400xi32, #tpu.memory_space<vmem>>[vector<16xi32>], vector<16xi32>,
      %add3A_229 = arith.addi %gather3A_228, %add3A_92 : vector<16xi32>
      tpu.vector_store_idx %arg7[%add3A_229], %broadcast_in_dim3A_16 {add = true} : memref<4096xf32, #tpu.memory_space<vmem>>[vector<16xi32>], vector<16xf32>,
      %add3A_230 = arith.constant 8 : i32
      %add3A_231 = vector.broadcast %add3A_230 : i32 to vector<16xi32>
      %add3A_232 = arith.addi %add3A_150, %add3A_231 : vector<16xi32>
      %gather3A_233 = tpu.vector_load_idx %arg5[%add3A_232] : memref<6400xi32, #tpu.memory_space<vmem>>[vector<16xi32>], vector<16xi32>,
      %add3A_234 = arith.addi %gather3A_233, %add3A_89 : vector<16xi32>
      tpu.vector_store_idx %arg7[%add3A_234], %broadcast_in_dim3A_16 {add = true} : memref<4096xf32, #tpu.memory_space<vmem>>[vector<16xi32>], vector<16xf32>,
      %add3A_235 = arith.constant 8 : i32
      %add3A_236 = vector.broadcast %add3A_235 : i32 to vector<16xi32>
      %add3A_237 = arith.addi %add3A_150, %add3A_236 : vector<16xi32>
      %gather3A_238 = tpu.vector_load_idx %arg6[%add3A_237] : memref<6400xi32, #tpu.memory_space<vmem>>[vector<16xi32>], vector<16xi32>,
      %add3A_239 = arith.addi %gather3A_238, %add3A_92 : vector<16xi32>
      tpu.vector_store_idx %arg7[%add3A_239], %broadcast_in_dim3A_16 {add = true} : memref<4096xf32, #tpu.memory_space<vmem>>[vector<16xi32>], vector<16xf32>,
      %add3A_240 = arith.constant 9 : i32
      %add3A_241 = vector.broadcast %add3A_240 : i32 to vector<16xi32>
      %add3A_242 = arith.addi %add3A_150, %add3A_241 : vector<16xi32>
      %gather3A_243 = tpu.vector_load_idx %arg5[%add3A_242] : memref<6400xi32, #tpu.memory_space<vmem>>[vector<16xi32>], vector<16xi32>,
      %add3A_244 = arith.addi %gather3A_243, %add3A_89 : vector<16xi32>
      tpu.vector_store_idx %arg7[%add3A_244], %broadcast_in_dim3A_16 {add = true} : memref<4096xf32, #tpu.memory_space<vmem>>[vector<16xi32>], vector<16xf32>,
      %add3A_245 = arith.constant 9 : i32
      %add3A_246 = vector.broadcast %add3A_245 : i32 to vector<16xi32>
      %add3A_247 = arith.addi %add3A_150, %add3A_246 : vector<16xi32>
      %gather3A_248 = tpu.vector_load_idx %arg6[%add3A_247] : memref<6400xi32, #tpu.memory_space<vmem>>[vector<16xi32>], vector<16xi32>,
      %add3A_249 = arith.addi %gather3A_248, %add3A_92 : vector<16xi32>
      tpu.vector_store_idx %arg7[%add3A_249], %broadcast_in_dim3A_16 {add = true} : memref<4096xf32, #tpu.memory_space<vmem>>[vector<16xi32>], vector<16xf32>,
    }
    %scan3A_98 = arith.constant 5 : i32
    %add3A_99 = arith.constant 4000 : i32
    %add3A_100 = vector.broadcast %add3A_99 : i32 to vector<16xi32>
    %add3A_101 = arith.addi %mul3A_19, %add3A_100 : vector<16xi32>
    %add3A_102 = arith.constant 2560 : i32
    %add3A_103 = vector.broadcast %add3A_102 : i32 to vector<16xi32>
    %add3A_104 = arith.addi %mul3A_23, %add3A_103 : vector<16xi32>
    %add3A_105 = arith.constant 27 : i32
    %add3A_106 = vector.broadcast %add3A_105 : i32 to vector<16xi32>
    %add3A_107 = arith.addi %add3A_104, %add3A_106 : vector<16xi32>
    %scan3A_108 = arith.constant 0 : i32
    %scan3A_109 = arith.constant 0 : i32
    %scan3A_110 = arith.constant 5 : i32
    %scan3A_111 = arith.addi %scan3A_109, %scan3A_110 : i32
    %scan3A_112 = arith.constant 1 : i32
    scf.for %scan3A_146 = %scan3A_109 to %scan3A_111 step %scan3A_112  : i32 {
      %mul3A_147 = arith.constant 10 : i32
      %mul3A_148 = arith.muli %scan3A_146, %mul3A_147 : i32
      %add3A_149 = vector.broadcast %mul3A_148 : i32 to vector<16xi32>
      %add3A_150 = arith.addi %add3A_101, %add3A_149 : vector<16xi32>
      %add3A_151 = arith.constant 0 : i32
      %add3A_152 = vector.broadcast %add3A_151 : i32 to vector<16xi32>
      %add3A_153 = arith.addi %add3A_150, %add3A_152 : vector<16xi32>
      %gather3A = tpu.vector_load_idx %arg5[%add3A_153] : memref<6400xi32, #tpu.memory_space<vmem>>[vector<16xi32>], vector<16xi32>,
      %add3A_154 = arith.addi %gather3A, %add3A_104 : vector<16xi32>
      tpu.vector_store_idx %arg7[%add3A_154], %broadcast_in_dim3A_16 {add = true} : memref<4096xf32, #tpu.memory_space<vmem>>[vector<16xi32>], vector<16xf32>,
      %add3A_155 = arith.constant 0 : i32
      %add3A_156 = vector.broadcast %add3A_155 : i32 to vector<16xi32>
      %add3A_157 = arith.addi %add3A_150, %add3A_156 : vector<16xi32>
      %gather3A_158 = tpu.vector_load_idx %arg6[%add3A_157] : memref<6400xi32, #tpu.memory_space<vmem>>[vector<16xi32>], vector<16xi32>,
      %add3A_159 = arith.addi %gather3A_158, %add3A_107 : vector<16xi32>
      tpu.vector_store_idx %arg7[%add3A_159], %broadcast_in_dim3A_16 {add = true} : memref<4096xf32, #tpu.memory_space<vmem>>[vector<16xi32>], vector<16xf32>,
      %add3A_160 = arith.constant 1 : i32
      %add3A_161 = vector.broadcast %add3A_160 : i32 to vector<16xi32>
      %add3A_162 = arith.addi %add3A_150, %add3A_161 : vector<16xi32>
      %gather3A_163 = tpu.vector_load_idx %arg5[%add3A_162] : memref<6400xi32, #tpu.memory_space<vmem>>[vector<16xi32>], vector<16xi32>,
      %add3A_164 = arith.addi %gather3A_163, %add3A_104 : vector<16xi32>
      tpu.vector_store_idx %arg7[%add3A_164], %broadcast_in_dim3A_16 {add = true} : memref<4096xf32, #tpu.memory_space<vmem>>[vector<16xi32>], vector<16xf32>,
      %add3A_165 = arith.constant 1 : i32
      %add3A_166 = vector.broadcast %add3A_165 : i32 to vector<16xi32>
      %add3A_167 = arith.addi %add3A_150, %add3A_166 : vector<16xi32>
      %gather3A_168 = tpu.vector_load_idx %arg6[%add3A_167] : memref<6400xi32, #tpu.memory_space<vmem>>[vector<16xi32>], vector<16xi32>,
      %add3A_169 = arith.addi %gather3A_168, %add3A_107 : vector<16xi32>
      tpu.vector_store_idx %arg7[%add3A_169], %broadcast_in_dim3A_16 {add = true} : memref<4096xf32, #tpu.memory_space<vmem>>[vector<16xi32>], vector<16xf32>,
      %add3A_170 = arith.constant 2 : i32
      %add3A_171 = vector.broadcast %add3A_170 : i32 to vector<16xi32>
      %add3A_172 = arith.addi %add3A_150, %add3A_171 : vector<16xi32>
      %gather3A_173 = tpu.vector_load_idx %arg5[%add3A_172] : memref<6400xi32, #tpu.memory_space<vmem>>[vector<16xi32>], vector<16xi32>,
      %add3A_174 = arith.addi %gather3A_173, %add3A_104 : vector<16xi32>
      tpu.vector_store_idx %arg7[%add3A_174], %broadcast_in_dim3A_16 {add = true} : memref<4096xf32, #tpu.memory_space<vmem>>[vector<16xi32>], vector<16xf32>,
      %add3A_175 = arith.constant 2 : i32
      %add3A_176 = vector.broadcast %add3A_175 : i32 to vector<16xi32>
      %add3A_177 = arith.addi %add3A_150, %add3A_176 : vector<16xi32>
      %gather3A_178 = tpu.vector_load_idx %arg6[%add3A_177] : memref<6400xi32, #tpu.memory_space<vmem>>[vector<16xi32>], vector<16xi32>,
      %add3A_179 = arith.addi %gather3A_178, %add3A_107 : vector<16xi32>
      tpu.vector_store_idx %arg7[%add3A_179], %broadcast_in_dim3A_16 {add = true} : memref<4096xf32, #tpu.memory_space<vmem>>[vector<16xi32>], vector<16xf32>,
      %add3A_180 = arith.constant 3 : i32
      %add3A_181 = vector.broadcast %add3A_180 : i32 to vector<16xi32>
      %add3A_182 = arith.addi %add3A_150, %add3A_181 : vector<16xi32>
      %gather3A_183 = tpu.vector_load_idx %arg5[%add3A_182] : memref<6400xi32, #tpu.memory_space<vmem>>[vector<16xi32>], vector<16xi32>,
      %add3A_184 = arith.addi %gather3A_183, %add3A_104 : vector<16xi32>
      tpu.vector_store_idx %arg7[%add3A_184], %broadcast_in_dim3A_16 {add = true} : memref<4096xf32, #tpu.memory_space<vmem>>[vector<16xi32>], vector<16xf32>,
      %add3A_185 = arith.constant 3 : i32
      %add3A_186 = vector.broadcast %add3A_185 : i32 to vector<16xi32>
      %add3A_187 = arith.addi %add3A_150, %add3A_186 : vector<16xi32>
      %gather3A_188 = tpu.vector_load_idx %arg6[%add3A_187] : memref<6400xi32, #tpu.memory_space<vmem>>[vector<16xi32>], vector<16xi32>,
      %add3A_189 = arith.addi %gather3A_188, %add3A_107 : vector<16xi32>
      tpu.vector_store_idx %arg7[%add3A_189], %broadcast_in_dim3A_16 {add = true} : memref<4096xf32, #tpu.memory_space<vmem>>[vector<16xi32>], vector<16xf32>,
      %add3A_190 = arith.constant 4 : i32
      %add3A_191 = vector.broadcast %add3A_190 : i32 to vector<16xi32>
      %add3A_192 = arith.addi %add3A_150, %add3A_191 : vector<16xi32>
      %gather3A_193 = tpu.vector_load_idx %arg5[%add3A_192] : memref<6400xi32, #tpu.memory_space<vmem>>[vector<16xi32>], vector<16xi32>,
      %add3A_194 = arith.addi %gather3A_193, %add3A_104 : vector<16xi32>
      tpu.vector_store_idx %arg7[%add3A_194], %broadcast_in_dim3A_16 {add = true} : memref<4096xf32, #tpu.memory_space<vmem>>[vector<16xi32>], vector<16xf32>,
      %add3A_195 = arith.constant 4 : i32
      %add3A_196 = vector.broadcast %add3A_195 : i32 to vector<16xi32>
      %add3A_197 = arith.addi %add3A_150, %add3A_196 : vector<16xi32>
      %gather3A_198 = tpu.vector_load_idx %arg6[%add3A_197] : memref<6400xi32, #tpu.memory_space<vmem>>[vector<16xi32>], vector<16xi32>,
      %add3A_199 = arith.addi %gather3A_198, %add3A_107 : vector<16xi32>
      tpu.vector_store_idx %arg7[%add3A_199], %broadcast_in_dim3A_16 {add = true} : memref<4096xf32, #tpu.memory_space<vmem>>[vector<16xi32>], vector<16xf32>,
      %add3A_200 = arith.constant 5 : i32
      %add3A_201 = vector.broadcast %add3A_200 : i32 to vector<16xi32>
      %add3A_202 = arith.addi %add3A_150, %add3A_201 : vector<16xi32>
      %gather3A_203 = tpu.vector_load_idx %arg5[%add3A_202] : memref<6400xi32, #tpu.memory_space<vmem>>[vector<16xi32>], vector<16xi32>,
      %add3A_204 = arith.addi %gather3A_203, %add3A_104 : vector<16xi32>
      tpu.vector_store_idx %arg7[%add3A_204], %broadcast_in_dim3A_16 {add = true} : memref<4096xf32, #tpu.memory_space<vmem>>[vector<16xi32>], vector<16xf32>,
      %add3A_205 = arith.constant 5 : i32
      %add3A_206 = vector.broadcast %add3A_205 : i32 to vector<16xi32>
      %add3A_207 = arith.addi %add3A_150, %add3A_206 : vector<16xi32>
      %gather3A_208 = tpu.vector_load_idx %arg6[%add3A_207] : memref<6400xi32, #tpu.memory_space<vmem>>[vector<16xi32>], vector<16xi32>,
      %add3A_209 = arith.addi %gather3A_208, %add3A_107 : vector<16xi32>
      tpu.vector_store_idx %arg7[%add3A_209], %broadcast_in_dim3A_16 {add = true} : memref<4096xf32, #tpu.memory_space<vmem>>[vector<16xi32>], vector<16xf32>,
      %add3A_210 = arith.constant 6 : i32
      %add3A_211 = vector.broadcast %add3A_210 : i32 to vector<16xi32>
      %add3A_212 = arith.addi %add3A_150, %add3A_211 : vector<16xi32>
      %gather3A_213 = tpu.vector_load_idx %arg5[%add3A_212] : memref<6400xi32, #tpu.memory_space<vmem>>[vector<16xi32>], vector<16xi32>,
      %add3A_214 = arith.addi %gather3A_213, %add3A_104 : vector<16xi32>
      tpu.vector_store_idx %arg7[%add3A_214], %broadcast_in_dim3A_16 {add = true} : memref<4096xf32, #tpu.memory_space<vmem>>[vector<16xi32>], vector<16xf32>,
      %add3A_215 = arith.constant 6 : i32
      %add3A_216 = vector.broadcast %add3A_215 : i32 to vector<16xi32>
      %add3A_217 = arith.addi %add3A_150, %add3A_216 : vector<16xi32>
      %gather3A_218 = tpu.vector_load_idx %arg6[%add3A_217] : memref<6400xi32, #tpu.memory_space<vmem>>[vector<16xi32>], vector<16xi32>,
      %add3A_219 = arith.addi %gather3A_218, %add3A_107 : vector<16xi32>
      tpu.vector_store_idx %arg7[%add3A_219], %broadcast_in_dim3A_16 {add = true} : memref<4096xf32, #tpu.memory_space<vmem>>[vector<16xi32>], vector<16xf32>,
      %add3A_220 = arith.constant 7 : i32
      %add3A_221 = vector.broadcast %add3A_220 : i32 to vector<16xi32>
      %add3A_222 = arith.addi %add3A_150, %add3A_221 : vector<16xi32>
      %gather3A_223 = tpu.vector_load_idx %arg5[%add3A_222] : memref<6400xi32, #tpu.memory_space<vmem>>[vector<16xi32>], vector<16xi32>,
      %add3A_224 = arith.addi %gather3A_223, %add3A_104 : vector<16xi32>
      tpu.vector_store_idx %arg7[%add3A_224], %broadcast_in_dim3A_16 {add = true} : memref<4096xf32, #tpu.memory_space<vmem>>[vector<16xi32>], vector<16xf32>,
      %add3A_225 = arith.constant 7 : i32
      %add3A_226 = vector.broadcast %add3A_225 : i32 to vector<16xi32>
      %add3A_227 = arith.addi %add3A_150, %add3A_226 : vector<16xi32>
      %gather3A_228 = tpu.vector_load_idx %arg6[%add3A_227] : memref<6400xi32, #tpu.memory_space<vmem>>[vector<16xi32>], vector<16xi32>,
      %add3A_229 = arith.addi %gather3A_228, %add3A_107 : vector<16xi32>
      tpu.vector_store_idx %arg7[%add3A_229], %broadcast_in_dim3A_16 {add = true} : memref<4096xf32, #tpu.memory_space<vmem>>[vector<16xi32>], vector<16xf32>,
      %add3A_230 = arith.constant 8 : i32
      %add3A_231 = vector.broadcast %add3A_230 : i32 to vector<16xi32>
      %add3A_232 = arith.addi %add3A_150, %add3A_231 : vector<16xi32>
      %gather3A_233 = tpu.vector_load_idx %arg5[%add3A_232] : memref<6400xi32, #tpu.memory_space<vmem>>[vector<16xi32>], vector<16xi32>,
      %add3A_234 = arith.addi %gather3A_233, %add3A_104 : vector<16xi32>
      tpu.vector_store_idx %arg7[%add3A_234], %broadcast_in_dim3A_16 {add = true} : memref<4096xf32, #tpu.memory_space<vmem>>[vector<16xi32>], vector<16xf32>,
      %add3A_235 = arith.constant 8 : i32
      %add3A_236 = vector.broadcast %add3A_235 : i32 to vector<16xi32>
      %add3A_237 = arith.addi %add3A_150, %add3A_236 : vector<16xi32>
      %gather3A_238 = tpu.vector_load_idx %arg6[%add3A_237] : memref<6400xi32, #tpu.memory_space<vmem>>[vector<16xi32>], vector<16xi32>,
      %add3A_239 = arith.addi %gather3A_238, %add3A_107 : vector<16xi32>
      tpu.vector_store_idx %arg7[%add3A_239], %broadcast_in_dim3A_16 {add = true} : memref<4096xf32, #tpu.memory_space<vmem>>[vector<16xi32>], vector<16xf32>,
      %add3A_240 = arith.constant 9 : i32
      %add3A_241 = vector.broadcast %add3A_240 : i32 to vector<16xi32>
      %add3A_242 = arith.addi %add3A_150, %add3A_241 : vector<16xi32>
      %gather3A_243 = tpu.vector_load_idx %arg5[%add3A_242] : memref<6400xi32, #tpu.memory_space<vmem>>[vector<16xi32>], vector<16xi32>,
      %add3A_244 = arith.addi %gather3A_243, %add3A_104 : vector<16xi32>
      tpu.vector_store_idx %arg7[%add3A_244], %broadcast_in_dim3A_16 {add = true} : memref<4096xf32, #tpu.memory_space<vmem>>[vector<16xi32>], vector<16xf32>,
      %add3A_245 = arith.constant 9 : i32
      %add3A_246 = vector.broadcast %add3A_245 : i32 to vector<16xi32>
      %add3A_247 = arith.addi %add3A_150, %add3A_246 : vector<16xi32>
      %gather3A_248 = tpu.vector_load_idx %arg6[%add3A_247] : memref<6400xi32, #tpu.memory_space<vmem>>[vector<16xi32>], vector<16xi32>,
      %add3A_249 = arith.addi %gather3A_248, %add3A_107 : vector<16xi32>
      tpu.vector_store_idx %arg7[%add3A_249], %broadcast_in_dim3A_16 {add = true} : memref<4096xf32, #tpu.memory_space<vmem>>[vector<16xi32>], vector<16xf32>,
    }
    %scan3A_113 = arith.constant 5 : i32
    %add3A_114 = arith.constant 4800 : i32
    %add3A_115 = vector.broadcast %add3A_114 : i32 to vector<16xi32>
    %add3A_116 = arith.addi %mul3A_19, %add3A_115 : vector<16xi32>
    %add3A_117 = arith.constant 3072 : i32
    %add3A_118 = vector.broadcast %add3A_117 : i32 to vector<16xi32>
    %add3A_119 = arith.addi %mul3A_23, %add3A_118 : vector<16xi32>
    %add3A_120 = arith.constant 27 : i32
    %add3A_121 = vector.broadcast %add3A_120 : i32 to vector<16xi32>
    %add3A_122 = arith.addi %add3A_119, %add3A_121 : vector<16xi32>
    %scan3A_123 = arith.constant 0 : i32
    %scan3A_124 = arith.constant 0 : i32
    %scan3A_125 = arith.constant 5 : i32
    %scan3A_126 = arith.addi %scan3A_124, %scan3A_125 : i32
    %scan3A_127 = arith.constant 1 : i32
    scf.for %scan3A_146 = %scan3A_124 to %scan3A_126 step %scan3A_127  : i32 {
      %mul3A_147 = arith.constant 10 : i32
      %mul3A_148 = arith.muli %scan3A_146, %mul3A_147 : i32
      %add3A_149 = vector.broadcast %mul3A_148 : i32 to vector<16xi32>
      %add3A_150 = arith.addi %add3A_116, %add3A_149 : vector<16xi32>
      %add3A_151 = arith.constant 0 : i32
      %add3A_152 = vector.broadcast %add3A_151 : i32 to vector<16xi32>
      %add3A_153 = arith.addi %add3A_150, %add3A_152 : vector<16xi32>
      %gather3A = tpu.vector_load_idx %arg5[%add3A_153] : memref<6400xi32, #tpu.memory_space<vmem>>[vector<16xi32>], vector<16xi32>,
      %add3A_154 = arith.addi %gather3A, %add3A_119 : vector<16xi32>
      tpu.vector_store_idx %arg7[%add3A_154], %broadcast_in_dim3A_16 {add = true} : memref<4096xf32, #tpu.memory_space<vmem>>[vector<16xi32>], vector<16xf32>,
      %add3A_155 = arith.constant 0 : i32
      %add3A_156 = vector.broadcast %add3A_155 : i32 to vector<16xi32>
      %add3A_157 = arith.addi %add3A_150, %add3A_156 : vector<16xi32>
      %gather3A_158 = tpu.vector_load_idx %arg6[%add3A_157] : memref<6400xi32, #tpu.memory_space<vmem>>[vector<16xi32>], vector<16xi32>,
      %add3A_159 = arith.addi %gather3A_158, %add3A_122 : vector<16xi32>
      tpu.vector_store_idx %arg7[%add3A_159], %broadcast_in_dim3A_16 {add = true} : memref<4096xf32, #tpu.memory_space<vmem>>[vector<16xi32>], vector<16xf32>,
      %add3A_160 = arith.constant 1 : i32
      %add3A_161 = vector.broadcast %add3A_160 : i32 to vector<16xi32>
      %add3A_162 = arith.addi %add3A_150, %add3A_161 : vector<16xi32>
      %gather3A_163 = tpu.vector_load_idx %arg5[%add3A_162] : memref<6400xi32, #tpu.memory_space<vmem>>[vector<16xi32>], vector<16xi32>,
      %add3A_164 = arith.addi %gather3A_163, %add3A_119 : vector<16xi32>
      tpu.vector_store_idx %arg7[%add3A_164], %broadcast_in_dim3A_16 {add = true} : memref<4096xf32, #tpu.memory_space<vmem>>[vector<16xi32>], vector<16xf32>,
      %add3A_165 = arith.constant 1 : i32
      %add3A_166 = vector.broadcast %add3A_165 : i32 to vector<16xi32>
      %add3A_167 = arith.addi %add3A_150, %add3A_166 : vector<16xi32>
      %gather3A_168 = tpu.vector_load_idx %arg6[%add3A_167] : memref<6400xi32, #tpu.memory_space<vmem>>[vector<16xi32>], vector<16xi32>,
      %add3A_169 = arith.addi %gather3A_168, %add3A_122 : vector<16xi32>
      tpu.vector_store_idx %arg7[%add3A_169], %broadcast_in_dim3A_16 {add = true} : memref<4096xf32, #tpu.memory_space<vmem>>[vector<16xi32>], vector<16xf32>,
      %add3A_170 = arith.constant 2 : i32
      %add3A_171 = vector.broadcast %add3A_170 : i32 to vector<16xi32>
      %add3A_172 = arith.addi %add3A_150, %add3A_171 : vector<16xi32>
      %gather3A_173 = tpu.vector_load_idx %arg5[%add3A_172] : memref<6400xi32, #tpu.memory_space<vmem>>[vector<16xi32>], vector<16xi32>,
      %add3A_174 = arith.addi %gather3A_173, %add3A_119 : vector<16xi32>
      tpu.vector_store_idx %arg7[%add3A_174], %broadcast_in_dim3A_16 {add = true} : memref<4096xf32, #tpu.memory_space<vmem>>[vector<16xi32>], vector<16xf32>,
      %add3A_175 = arith.constant 2 : i32
      %add3A_176 = vector.broadcast %add3A_175 : i32 to vector<16xi32>
      %add3A_177 = arith.addi %add3A_150, %add3A_176 : vector<16xi32>
      %gather3A_178 = tpu.vector_load_idx %arg6[%add3A_177] : memref<6400xi32, #tpu.memory_space<vmem>>[vector<16xi32>], vector<16xi32>,
      %add3A_179 = arith.addi %gather3A_178, %add3A_122 : vector<16xi32>
      tpu.vector_store_idx %arg7[%add3A_179], %broadcast_in_dim3A_16 {add = true} : memref<4096xf32, #tpu.memory_space<vmem>>[vector<16xi32>], vector<16xf32>,
      %add3A_180 = arith.constant 3 : i32
      %add3A_181 = vector.broadcast %add3A_180 : i32 to vector<16xi32>
      %add3A_182 = arith.addi %add3A_150, %add3A_181 : vector<16xi32>
      %gather3A_183 = tpu.vector_load_idx %arg5[%add3A_182] : memref<6400xi32, #tpu.memory_space<vmem>>[vector<16xi32>], vector<16xi32>,
      %add3A_184 = arith.addi %gather3A_183, %add3A_119 : vector<16xi32>
      tpu.vector_store_idx %arg7[%add3A_184], %broadcast_in_dim3A_16 {add = true} : memref<4096xf32, #tpu.memory_space<vmem>>[vector<16xi32>], vector<16xf32>,
      %add3A_185 = arith.constant 3 : i32
      %add3A_186 = vector.broadcast %add3A_185 : i32 to vector<16xi32>
      %add3A_187 = arith.addi %add3A_150, %add3A_186 : vector<16xi32>
      %gather3A_188 = tpu.vector_load_idx %arg6[%add3A_187] : memref<6400xi32, #tpu.memory_space<vmem>>[vector<16xi32>], vector<16xi32>,
      %add3A_189 = arith.addi %gather3A_188, %add3A_122 : vector<16xi32>
      tpu.vector_store_idx %arg7[%add3A_189], %broadcast_in_dim3A_16 {add = true} : memref<4096xf32, #tpu.memory_space<vmem>>[vector<16xi32>], vector<16xf32>,
      %add3A_190 = arith.constant 4 : i32
      %add3A_191 = vector.broadcast %add3A_190 : i32 to vector<16xi32>
      %add3A_192 = arith.addi %add3A_150, %add3A_191 : vector<16xi32>
      %gather3A_193 = tpu.vector_load_idx %arg5[%add3A_192] : memref<6400xi32, #tpu.memory_space<vmem>>[vector<16xi32>], vector<16xi32>,
      %add3A_194 = arith.addi %gather3A_193, %add3A_119 : vector<16xi32>
      tpu.vector_store_idx %arg7[%add3A_194], %broadcast_in_dim3A_16 {add = true} : memref<4096xf32, #tpu.memory_space<vmem>>[vector<16xi32>], vector<16xf32>,
      %add3A_195 = arith.constant 4 : i32
      %add3A_196 = vector.broadcast %add3A_195 : i32 to vector<16xi32>
      %add3A_197 = arith.addi %add3A_150, %add3A_196 : vector<16xi32>
      %gather3A_198 = tpu.vector_load_idx %arg6[%add3A_197] : memref<6400xi32, #tpu.memory_space<vmem>>[vector<16xi32>], vector<16xi32>,
      %add3A_199 = arith.addi %gather3A_198, %add3A_122 : vector<16xi32>
      tpu.vector_store_idx %arg7[%add3A_199], %broadcast_in_dim3A_16 {add = true} : memref<4096xf32, #tpu.memory_space<vmem>>[vector<16xi32>], vector<16xf32>,
      %add3A_200 = arith.constant 5 : i32
      %add3A_201 = vector.broadcast %add3A_200 : i32 to vector<16xi32>
      %add3A_202 = arith.addi %add3A_150, %add3A_201 : vector<16xi32>
      %gather3A_203 = tpu.vector_load_idx %arg5[%add3A_202] : memref<6400xi32, #tpu.memory_space<vmem>>[vector<16xi32>], vector<16xi32>,
      %add3A_204 = arith.addi %gather3A_203, %add3A_119 : vector<16xi32>
      tpu.vector_store_idx %arg7[%add3A_204], %broadcast_in_dim3A_16 {add = true} : memref<4096xf32, #tpu.memory_space<vmem>>[vector<16xi32>], vector<16xf32>,
      %add3A_205 = arith.constant 5 : i32
      %add3A_206 = vector.broadcast %add3A_205 : i32 to vector<16xi32>
      %add3A_207 = arith.addi %add3A_150, %add3A_206 : vector<16xi32>
      %gather3A_208 = tpu.vector_load_idx %arg6[%add3A_207] : memref<6400xi32, #tpu.memory_space<vmem>>[vector<16xi32>], vector<16xi32>,
      %add3A_209 = arith.addi %gather3A_208, %add3A_122 : vector<16xi32>
      tpu.vector_store_idx %arg7[%add3A_209], %broadcast_in_dim3A_16 {add = true} : memref<4096xf32, #tpu.memory_space<vmem>>[vector<16xi32>], vector<16xf32>,
      %add3A_210 = arith.constant 6 : i32
      %add3A_211 = vector.broadcast %add3A_210 : i32 to vector<16xi32>
      %add3A_212 = arith.addi %add3A_150, %add3A_211 : vector<16xi32>
      %gather3A_213 = tpu.vector_load_idx %arg5[%add3A_212] : memref<6400xi32, #tpu.memory_space<vmem>>[vector<16xi32>], vector<16xi32>,
      %add3A_214 = arith.addi %gather3A_213, %add3A_119 : vector<16xi32>
      tpu.vector_store_idx %arg7[%add3A_214], %broadcast_in_dim3A_16 {add = true} : memref<4096xf32, #tpu.memory_space<vmem>>[vector<16xi32>], vector<16xf32>,
      %add3A_215 = arith.constant 6 : i32
      %add3A_216 = vector.broadcast %add3A_215 : i32 to vector<16xi32>
      %add3A_217 = arith.addi %add3A_150, %add3A_216 : vector<16xi32>
      %gather3A_218 = tpu.vector_load_idx %arg6[%add3A_217] : memref<6400xi32, #tpu.memory_space<vmem>>[vector<16xi32>], vector<16xi32>,
      %add3A_219 = arith.addi %gather3A_218, %add3A_122 : vector<16xi32>
      tpu.vector_store_idx %arg7[%add3A_219], %broadcast_in_dim3A_16 {add = true} : memref<4096xf32, #tpu.memory_space<vmem>>[vector<16xi32>], vector<16xf32>,
      %add3A_220 = arith.constant 7 : i32
      %add3A_221 = vector.broadcast %add3A_220 : i32 to vector<16xi32>
      %add3A_222 = arith.addi %add3A_150, %add3A_221 : vector<16xi32>
      %gather3A_223 = tpu.vector_load_idx %arg5[%add3A_222] : memref<6400xi32, #tpu.memory_space<vmem>>[vector<16xi32>], vector<16xi32>,
      %add3A_224 = arith.addi %gather3A_223, %add3A_119 : vector<16xi32>
      tpu.vector_store_idx %arg7[%add3A_224], %broadcast_in_dim3A_16 {add = true} : memref<4096xf32, #tpu.memory_space<vmem>>[vector<16xi32>], vector<16xf32>,
      %add3A_225 = arith.constant 7 : i32
      %add3A_226 = vector.broadcast %add3A_225 : i32 to vector<16xi32>
      %add3A_227 = arith.addi %add3A_150, %add3A_226 : vector<16xi32>
      %gather3A_228 = tpu.vector_load_idx %arg6[%add3A_227] : memref<6400xi32, #tpu.memory_space<vmem>>[vector<16xi32>], vector<16xi32>,
      %add3A_229 = arith.addi %gather3A_228, %add3A_122 : vector<16xi32>
      tpu.vector_store_idx %arg7[%add3A_229], %broadcast_in_dim3A_16 {add = true} : memref<4096xf32, #tpu.memory_space<vmem>>[vector<16xi32>], vector<16xf32>,
      %add3A_230 = arith.constant 8 : i32
      %add3A_231 = vector.broadcast %add3A_230 : i32 to vector<16xi32>
      %add3A_232 = arith.addi %add3A_150, %add3A_231 : vector<16xi32>
      %gather3A_233 = tpu.vector_load_idx %arg5[%add3A_232] : memref<6400xi32, #tpu.memory_space<vmem>>[vector<16xi32>], vector<16xi32>,
      %add3A_234 = arith.addi %gather3A_233, %add3A_119 : vector<16xi32>
      tpu.vector_store_idx %arg7[%add3A_234], %broadcast_in_dim3A_16 {add = true} : memref<4096xf32, #tpu.memory_space<vmem>>[vector<16xi32>], vector<16xf32>,
      %add3A_235 = arith.constant 8 : i32
      %add3A_236 = vector.broadcast %add3A_235 : i32 to vector<16xi32>
      %add3A_237 = arith.addi %add3A_150, %add3A_236 : vector<16xi32>
      %gather3A_238 = tpu.vector_load_idx %arg6[%add3A_237] : memref<6400xi32, #tpu.memory_space<vmem>>[vector<16xi32>], vector<16xi32>,
      %add3A_239 = arith.addi %gather3A_238, %add3A_122 : vector<16xi32>
      tpu.vector_store_idx %arg7[%add3A_239], %broadcast_in_dim3A_16 {add = true} : memref<4096xf32, #tpu.memory_space<vmem>>[vector<16xi32>], vector<16xf32>,
      %add3A_240 = arith.constant 9 : i32
      %add3A_241 = vector.broadcast %add3A_240 : i32 to vector<16xi32>
      %add3A_242 = arith.addi %add3A_150, %add3A_241 : vector<16xi32>
      %gather3A_243 = tpu.vector_load_idx %arg5[%add3A_242] : memref<6400xi32, #tpu.memory_space<vmem>>[vector<16xi32>], vector<16xi32>,
      %add3A_244 = arith.addi %gather3A_243, %add3A_119 : vector<16xi32>
      tpu.vector_store_idx %arg7[%add3A_244], %broadcast_in_dim3A_16 {add = true} : memref<4096xf32, #tpu.memory_space<vmem>>[vector<16xi32>], vector<16xf32>,
      %add3A_245 = arith.constant 9 : i32
      %add3A_246 = vector.broadcast %add3A_245 : i32 to vector<16xi32>
      %add3A_247 = arith.addi %add3A_150, %add3A_246 : vector<16xi32>
      %gather3A_248 = tpu.vector_load_idx %arg6[%add3A_247] : memref<6400xi32, #tpu.memory_space<vmem>>[vector<16xi32>], vector<16xi32>,
      %add3A_249 = arith.addi %gather3A_248, %add3A_122 : vector<16xi32>
      tpu.vector_store_idx %arg7[%add3A_249], %broadcast_in_dim3A_16 {add = true} : memref<4096xf32, #tpu.memory_space<vmem>>[vector<16xi32>], vector<16xf32>,
    }
    %scan3A_128 = arith.constant 5 : i32
    %add3A_129 = arith.constant 5600 : i32
    %add3A_130 = vector.broadcast %add3A_129 : i32 to vector<16xi32>
    %add3A_131 = arith.addi %mul3A_19, %add3A_130 : vector<16xi32>
    %add3A_132 = arith.constant 3584 : i32
    %add3A_133 = vector.broadcast %add3A_132 : i32 to vector<16xi32>
    %add3A_134 = arith.addi %mul3A_23, %add3A_133 : vector<16xi32>
    %add3A_135 = arith.constant 27 : i32
    %add3A_136 = vector.broadcast %add3A_135 : i32 to vector<16xi32>
    %add3A_137 = arith.addi %add3A_134, %add3A_136 : vector<16xi32>
    %scan3A_138 = arith.constant 0 : i32
    %scan3A_139 = arith.constant 0 : i32
    %scan3A_140 = arith.constant 5 : i32
    %scan3A_141 = arith.addi %scan3A_139, %scan3A_140 : i32
    %scan3A_142 = arith.constant 1 : i32
    scf.for %scan3A_146 = %scan3A_139 to %scan3A_141 step %scan3A_142  : i32 {
      %mul3A_147 = arith.constant 10 : i32
      %mul3A_148 = arith.muli %scan3A_146, %mul3A_147 : i32
      %add3A_149 = vector.broadcast %mul3A_148 : i32 to vector<16xi32>
      %add3A_150 = arith.addi %add3A_131, %add3A_149 : vector<16xi32>
      %add3A_151 = arith.constant 0 : i32
      %add3A_152 = vector.broadcast %add3A_151 : i32 to vector<16xi32>
      %add3A_153 = arith.addi %add3A_150, %add3A_152 : vector<16xi32>
      %gather3A = tpu.vector_load_idx %arg5[%add3A_153] : memref<6400xi32, #tpu.memory_space<vmem>>[vector<16xi32>], vector<16xi32>,
      %add3A_154 = arith.addi %gather3A, %add3A_134 : vector<16xi32>
      tpu.vector_store_idx %arg7[%add3A_154], %broadcast_in_dim3A_16 {add = true} : memref<4096xf32, #tpu.memory_space<vmem>>[vector<16xi32>], vector<16xf32>,
      %add3A_155 = arith.constant 0 : i32
      %add3A_156 = vector.broadcast %add3A_155 : i32 to vector<16xi32>
      %add3A_157 = arith.addi %add3A_150, %add3A_156 : vector<16xi32>
      %gather3A_158 = tpu.vector_load_idx %arg6[%add3A_157] : memref<6400xi32, #tpu.memory_space<vmem>>[vector<16xi32>], vector<16xi32>,
      %add3A_159 = arith.addi %gather3A_158, %add3A_137 : vector<16xi32>
      tpu.vector_store_idx %arg7[%add3A_159], %broadcast_in_dim3A_16 {add = true} : memref<4096xf32, #tpu.memory_space<vmem>>[vector<16xi32>], vector<16xf32>,
      %add3A_160 = arith.constant 1 : i32
      %add3A_161 = vector.broadcast %add3A_160 : i32 to vector<16xi32>
      %add3A_162 = arith.addi %add3A_150, %add3A_161 : vector<16xi32>
      %gather3A_163 = tpu.vector_load_idx %arg5[%add3A_162] : memref<6400xi32, #tpu.memory_space<vmem>>[vector<16xi32>], vector<16xi32>,
      %add3A_164 = arith.addi %gather3A_163, %add3A_134 : vector<16xi32>
      tpu.vector_store_idx %arg7[%add3A_164], %broadcast_in_dim3A_16 {add = true} : memref<4096xf32, #tpu.memory_space<vmem>>[vector<16xi32>], vector<16xf32>,
      %add3A_165 = arith.constant 1 : i32
      %add3A_166 = vector.broadcast %add3A_165 : i32 to vector<16xi32>
      %add3A_167 = arith.addi %add3A_150, %add3A_166 : vector<16xi32>
      %gather3A_168 = tpu.vector_load_idx %arg6[%add3A_167] : memref<6400xi32, #tpu.memory_space<vmem>>[vector<16xi32>], vector<16xi32>,
      %add3A_169 = arith.addi %gather3A_168, %add3A_137 : vector<16xi32>
      tpu.vector_store_idx %arg7[%add3A_169], %broadcast_in_dim3A_16 {add = true} : memref<4096xf32, #tpu.memory_space<vmem>>[vector<16xi32>], vector<16xf32>,
      %add3A_170 = arith.constant 2 : i32
      %add3A_171 = vector.broadcast %add3A_170 : i32 to vector<16xi32>
      %add3A_172 = arith.addi %add3A_150, %add3A_171 : vector<16xi32>
      %gather3A_173 = tpu.vector_load_idx %arg5[%add3A_172] : memref<6400xi32, #tpu.memory_space<vmem>>[vector<16xi32>], vector<16xi32>,
      %add3A_174 = arith.addi %gather3A_173, %add3A_134 : vector<16xi32>
      tpu.vector_store_idx %arg7[%add3A_174], %broadcast_in_dim3A_16 {add = true} : memref<4096xf32, #tpu.memory_space<vmem>>[vector<16xi32>], vector<16xf32>,
      %add3A_175 = arith.constant 2 : i32
      %add3A_176 = vector.broadcast %add3A_175 : i32 to vector<16xi32>
      %add3A_177 = arith.addi %add3A_150, %add3A_176 : vector<16xi32>
      %gather3A_178 = tpu.vector_load_idx %arg6[%add3A_177] : memref<6400xi32, #tpu.memory_space<vmem>>[vector<16xi32>], vector<16xi32>,
      %add3A_179 = arith.addi %gather3A_178, %add3A_137 : vector<16xi32>
      tpu.vector_store_idx %arg7[%add3A_179], %broadcast_in_dim3A_16 {add = true} : memref<4096xf32, #tpu.memory_space<vmem>>[vector<16xi32>], vector<16xf32>,
      %add3A_180 = arith.constant 3 : i32
      %add3A_181 = vector.broadcast %add3A_180 : i32 to vector<16xi32>
      %add3A_182 = arith.addi %add3A_150, %add3A_181 : vector<16xi32>
      %gather3A_183 = tpu.vector_load_idx %arg5[%add3A_182] : memref<6400xi32, #tpu.memory_space<vmem>>[vector<16xi32>], vector<16xi32>,
      %add3A_184 = arith.addi %gather3A_183, %add3A_134 : vector<16xi32>
      tpu.vector_store_idx %arg7[%add3A_184], %broadcast_in_dim3A_16 {add = true} : memref<4096xf32, #tpu.memory_space<vmem>>[vector<16xi32>], vector<16xf32>,
      %add3A_185 = arith.constant 3 : i32
      %add3A_186 = vector.broadcast %add3A_185 : i32 to vector<16xi32>
      %add3A_187 = arith.addi %add3A_150, %add3A_186 : vector<16xi32>
      %gather3A_188 = tpu.vector_load_idx %arg6[%add3A_187] : memref<6400xi32, #tpu.memory_space<vmem>>[vector<16xi32>], vector<16xi32>,
      %add3A_189 = arith.addi %gather3A_188, %add3A_137 : vector<16xi32>
      tpu.vector_store_idx %arg7[%add3A_189], %broadcast_in_dim3A_16 {add = true} : memref<4096xf32, #tpu.memory_space<vmem>>[vector<16xi32>], vector<16xf32>,
      %add3A_190 = arith.constant 4 : i32
      %add3A_191 = vector.broadcast %add3A_190 : i32 to vector<16xi32>
      %add3A_192 = arith.addi %add3A_150, %add3A_191 : vector<16xi32>
      %gather3A_193 = tpu.vector_load_idx %arg5[%add3A_192] : memref<6400xi32, #tpu.memory_space<vmem>>[vector<16xi32>], vector<16xi32>,
      %add3A_194 = arith.addi %gather3A_193, %add3A_134 : vector<16xi32>
      tpu.vector_store_idx %arg7[%add3A_194], %broadcast_in_dim3A_16 {add = true} : memref<4096xf32, #tpu.memory_space<vmem>>[vector<16xi32>], vector<16xf32>,
      %add3A_195 = arith.constant 4 : i32
      %add3A_196 = vector.broadcast %add3A_195 : i32 to vector<16xi32>
      %add3A_197 = arith.addi %add3A_150, %add3A_196 : vector<16xi32>
      %gather3A_198 = tpu.vector_load_idx %arg6[%add3A_197] : memref<6400xi32, #tpu.memory_space<vmem>>[vector<16xi32>], vector<16xi32>,
      %add3A_199 = arith.addi %gather3A_198, %add3A_137 : vector<16xi32>
      tpu.vector_store_idx %arg7[%add3A_199], %broadcast_in_dim3A_16 {add = true} : memref<4096xf32, #tpu.memory_space<vmem>>[vector<16xi32>], vector<16xf32>,
      %add3A_200 = arith.constant 5 : i32
      %add3A_201 = vector.broadcast %add3A_200 : i32 to vector<16xi32>
      %add3A_202 = arith.addi %add3A_150, %add3A_201 : vector<16xi32>
      %gather3A_203 = tpu.vector_load_idx %arg5[%add3A_202] : memref<6400xi32, #tpu.memory_space<vmem>>[vector<16xi32>], vector<16xi32>,
      %add3A_204 = arith.addi %gather3A_203, %add3A_134 : vector<16xi32>
      tpu.vector_store_idx %arg7[%add3A_204], %broadcast_in_dim3A_16 {add = true} : memref<4096xf32, #tpu.memory_space<vmem>>[vector<16xi32>], vector<16xf32>,
      %add3A_205 = arith.constant 5 : i32
      %add3A_206 = vector.broadcast %add3A_205 : i32 to vector<16xi32>
      %add3A_207 = arith.addi %add3A_150, %add3A_206 : vector<16xi32>
      %gather3A_208 = tpu.vector_load_idx %arg6[%add3A_207] : memref<6400xi32, #tpu.memory_space<vmem>>[vector<16xi32>], vector<16xi32>,
      %add3A_209 = arith.addi %gather3A_208, %add3A_137 : vector<16xi32>
      tpu.vector_store_idx %arg7[%add3A_209], %broadcast_in_dim3A_16 {add = true} : memref<4096xf32, #tpu.memory_space<vmem>>[vector<16xi32>], vector<16xf32>,
      %add3A_210 = arith.constant 6 : i32
      %add3A_211 = vector.broadcast %add3A_210 : i32 to vector<16xi32>
      %add3A_212 = arith.addi %add3A_150, %add3A_211 : vector<16xi32>
      %gather3A_213 = tpu.vector_load_idx %arg5[%add3A_212] : memref<6400xi32, #tpu.memory_space<vmem>>[vector<16xi32>], vector<16xi32>,
      %add3A_214 = arith.addi %gather3A_213, %add3A_134 : vector<16xi32>
      tpu.vector_store_idx %arg7[%add3A_214], %broadcast_in_dim3A_16 {add = true} : memref<4096xf32, #tpu.memory_space<vmem>>[vector<16xi32>], vector<16xf32>,
      %add3A_215 = arith.constant 6 : i32
      %add3A_216 = vector.broadcast %add3A_215 : i32 to vector<16xi32>
      %add3A_217 = arith.addi %add3A_150, %add3A_216 : vector<16xi32>
      %gather3A_218 = tpu.vector_load_idx %arg6[%add3A_217] : memref<6400xi32, #tpu.memory_space<vmem>>[vector<16xi32>], vector<16xi32>,
      %add3A_219 = arith.addi %gather3A_218, %add3A_137 : vector<16xi32>
      tpu.vector_store_idx %arg7[%add3A_219], %broadcast_in_dim3A_16 {add = true} : memref<4096xf32, #tpu.memory_space<vmem>>[vector<16xi32>], vector<16xf32>,
      %add3A_220 = arith.constant 7 : i32
      %add3A_221 = vector.broadcast %add3A_220 : i32 to vector<16xi32>
      %add3A_222 = arith.addi %add3A_150, %add3A_221 : vector<16xi32>
      %gather3A_223 = tpu.vector_load_idx %arg5[%add3A_222] : memref<6400xi32, #tpu.memory_space<vmem>>[vector<16xi32>], vector<16xi32>,
      %add3A_224 = arith.addi %gather3A_223, %add3A_134 : vector<16xi32>
      tpu.vector_store_idx %arg7[%add3A_224], %broadcast_in_dim3A_16 {add = true} : memref<4096xf32, #tpu.memory_space<vmem>>[vector<16xi32>], vector<16xf32>,
      %add3A_225 = arith.constant 7 : i32
      %add3A_226 = vector.broadcast %add3A_225 : i32 to vector<16xi32>
      %add3A_227 = arith.addi %add3A_150, %add3A_226 : vector<16xi32>
      %gather3A_228 = tpu.vector_load_idx %arg6[%add3A_227] : memref<6400xi32, #tpu.memory_space<vmem>>[vector<16xi32>], vector<16xi32>,
      %add3A_229 = arith.addi %gather3A_228, %add3A_137 : vector<16xi32>
      tpu.vector_store_idx %arg7[%add3A_229], %broadcast_in_dim3A_16 {add = true} : memref<4096xf32, #tpu.memory_space<vmem>>[vector<16xi32>], vector<16xf32>,
      %add3A_230 = arith.constant 8 : i32
      %add3A_231 = vector.broadcast %add3A_230 : i32 to vector<16xi32>
      %add3A_232 = arith.addi %add3A_150, %add3A_231 : vector<16xi32>
      %gather3A_233 = tpu.vector_load_idx %arg5[%add3A_232] : memref<6400xi32, #tpu.memory_space<vmem>>[vector<16xi32>], vector<16xi32>,
      %add3A_234 = arith.addi %gather3A_233, %add3A_134 : vector<16xi32>
      tpu.vector_store_idx %arg7[%add3A_234], %broadcast_in_dim3A_16 {add = true} : memref<4096xf32, #tpu.memory_space<vmem>>[vector<16xi32>], vector<16xf32>,
      %add3A_235 = arith.constant 8 : i32
      %add3A_236 = vector.broadcast %add3A_235 : i32 to vector<16xi32>
      %add3A_237 = arith.addi %add3A_150, %add3A_236 : vector<16xi32>
      %gather3A_238 = tpu.vector_load_idx %arg6[%add3A_237] : memref<6400xi32, #tpu.memory_space<vmem>>[vector<16xi32>], vector<16xi32>,
      %add3A_239 = arith.addi %gather3A_238, %add3A_137 : vector<16xi32>
      tpu.vector_store_idx %arg7[%add3A_239], %broadcast_in_dim3A_16 {add = true} : memref<4096xf32, #tpu.memory_space<vmem>>[vector<16xi32>], vector<16xf32>,
      %add3A_240 = arith.constant 9 : i32
      %add3A_241 = vector.broadcast %add3A_240 : i32 to vector<16xi32>
      %add3A_242 = arith.addi %add3A_150, %add3A_241 : vector<16xi32>
      %gather3A_243 = tpu.vector_load_idx %arg5[%add3A_242] : memref<6400xi32, #tpu.memory_space<vmem>>[vector<16xi32>], vector<16xi32>,
      %add3A_244 = arith.addi %gather3A_243, %add3A_134 : vector<16xi32>
      tpu.vector_store_idx %arg7[%add3A_244], %broadcast_in_dim3A_16 {add = true} : memref<4096xf32, #tpu.memory_space<vmem>>[vector<16xi32>], vector<16xf32>,
      %add3A_245 = arith.constant 9 : i32
      %add3A_246 = vector.broadcast %add3A_245 : i32 to vector<16xi32>
      %add3A_247 = arith.addi %add3A_150, %add3A_246 : vector<16xi32>
      %gather3A_248 = tpu.vector_load_idx %arg6[%add3A_247] : memref<6400xi32, #tpu.memory_space<vmem>>[vector<16xi32>], vector<16xi32>,
      %add3A_249 = arith.addi %gather3A_248, %add3A_137 : vector<16xi32>
      tpu.vector_store_idx %arg7[%add3A_249], %broadcast_in_dim3A_16 {add = true} : memref<4096xf32, #tpu.memory_space<vmem>>[vector<16xi32>], vector<16xf32>,
    }
    %scan3A_143 = arith.constant 5 : i32
    %mul3A_144 = arith.constant 4096 : i32
    %mul3A_145 = arith.muli %add3A, %mul3A_144 : i32
    "tpu.region"() ({
      %run_scoped3A = tpu.sem_alloc : memref<!tpu.dma_semaphore, #tpu.memory_space<semaphore_mem>>
      %dma_start3A_146 = tpu.memref_slice %arg4[%mul3A_145] : memref<131072xf32, #tpu.memory_space<hbm>> -> memref<4096xf32, #tpu.memory_space<hbm>>
      %dma_start3A_147 = tpu.memref_slice %arg4[%mul3A_145] : memref<131072xf32, #tpu.memory_space<hbm>> -> memref<4096xf32, #tpu.memory_space<hbm>>
      tpu.enqueue_dma source(%arg7 : memref<4096xf32, #tpu.memory_space<vmem>>) target(%dma_start3A_147 : memref<4096xf32, #tpu.memory_space<hbm>>) target_semaphore(%run_scoped3A : memref<!tpu.dma_semaphore, #tpu.memory_space<semaphore_mem>>)
      %dma_wait3A_148 = tpu.memref_slice %arg4[%mul3A_145] : memref<131072xf32, #tpu.memory_space<hbm>> -> memref<4096xf32, #tpu.memory_space<hbm>>
      %dma_wait3A_149 = tpu.memref_slice %arg4[%mul3A_145] : memref<131072xf32, #tpu.memory_space<hbm>> -> memref<4096xf32, #tpu.memory_space<hbm>>
      tpu.wait_dma2 semaphore(%run_scoped3A : memref<!tpu.dma_semaphore, #tpu.memory_space<semaphore_mem>>) src(%arg7 : memref<4096xf32, #tpu.memory_space<vmem>>) dst(%dma_wait3A_149 : memref<4096xf32, #tpu.memory_space<hbm>>)
      tpu.yield
    }) : () -> ()
    return
  }
}

module attributes {stable_mosaic.version = 14 : i64} {
  func.func @_matmul_body(%arg0: memref<4096x32xf32, #tpu.memory_space<vmem>>, %arg1: memref<32x64xf32, #tpu.memory_space<vmem>>, %arg2: memref<4096x64xf32, #tpu.memory_space<vmem>>) attributes {dimension_semantics = [], scalar_prefetch = 0 : i64, scratch_operands = 0 : i64, tpu.core_type = #tpu.core_type<tc>} {
    %get3A = arith.constant 0 : index
    %get3A_0 = arith.constant 0 : index
    %get3A_1 = vector.load %arg0[%get3A, %get3A_0] : memref<4096x32xf32, #tpu.memory_space<vmem>>, vector<4096x32xf32>
    %get3A_2 = arith.constant 0 : index
    %get3A_3 = arith.constant 0 : index
    %get3A_4 = vector.load %arg1[%get3A_2, %get3A_3] : memref<32x64xf32, #tpu.memory_space<vmem>>, vector<32x64xf32>
    %dot_general3A = arith.constant dense<0.000000e+00> : vector<4096x64xf32>
    %dot_general3A_5 = tpu.matmul %get3A_1, %get3A_4, %dot_general3A {dimension_numbers = #tpu.dot_dimension_numbers<[1], [0], [0], [1], [0, 0, 1, 1], [], []>, transpose_lhs_hint = false} : vector<4096x32xf32>, vector<32x64xf32>, vector<4096x64xf32> -> vector<4096x64xf32>
    %swap3A = arith.constant 0 : index
    %swap3A_6 = arith.constant 0 : index
    %swap3A_7 = vector.load %arg2[%swap3A, %swap3A_6] : memref<4096x64xf32, #tpu.memory_space<vmem>>, vector<4096x64xf32>
    tpu.vector_store %arg2[%swap3A, %swap3A_6], %dot_general3A_5 {strides = array<i32>} : memref<4096x64xf32, #tpu.memory_space<vmem>>, vector<4096x64xf32>,
    return
  }
}

</mosaic_0001>

<sc_bundles>
// kernel: kernel.4.cloned.1.call-start
scs
__scs_entry_jumppad:
0x0: {  	(pc) =	sbr.rel $0x88, $3  }
0x1: {  	(tag) =	ssettag $0x0;
	lr =	simm.s32 $0x1  }
0x2: {  	[smem:$0x3F9D] =	sst lr;
	_ =	strace $0xD0000000  }
0x3: {  	_ = 	snop  }
0x4: {  	_ = 	snop  }
0x5: {  	_ = 	snop  }
0x6: {  	_ = 	snop  }
0x7: {  	_ = 	snop  }
__scs_overlays_trampoline_lowered:
0x8: {  	[smem:$0x3FAC] =	sst s0  }
0x9: {  	[smem:$0x3FAD] =	sst s1  }
0xa: {  	[smem:$0x3FAE] =	sst s2  }
0xb: {  	[smem:$0x3FAF] =	sst s3  }
0xc: {  	[smem:$0x3FB0] =	sst s4  }
0xd: {  	[smem:$0x3FB1] =	sst s5  }
0xe: {  	[smem:$0x3FB2] =	sst s6  }
0xf: {  	[smem:$0x3FB3] =	sst s7  }
0x10: {  	[smem:$0x3FB4] =	sst s8  }
0x11: {  	[smem:$0x3FB5] =	sst s9;
	s0 =	simm.s32 @!p0 $0x0  }
0x12: {  	s1 =	sld [smem:$0x3F9B];
	s0 =	simm.s32 @p0 $0x1  }
0x13: {  	[smem:$0x3FB6] =	sst s0;
	s0 =	simm.s32 @!p1 $0x0  }
0x14: {  	s2 =	sld [smem:$0x3F9A];
	s0 =	simm.s32 @p1 $0x1  }
0x15: {  	[smem:$0x3FB7] =	sst s0;
	s0 =	simm.s32 @!p2 $0x0  }
0x16: {  	s3 =	sld [smem:$0x3FDB];
	s0 =	simm.s32 @p2 $0x1  }
0x17: {  	s4 =	simm.s32 $0x1BF5;
	[smem:$0x3FB9] =	sst s0  }
0x18: {  	s0 =	sld [smem:$0x3F9C];
	_ =	swait.ge [sflag:s4], $0x0  }
0x19: {  	s7 =	sld [smem:$0x3F9D]  }
0x1a: {  	s8 =	sadd.s32 $0xFFFFE003, lr  }
0x1b: {  	s9 =	sadd.s32 $0xFFFFFEF7, lr;
	s5 =	simm.s32 $0xFFFFFFFF;
	p2 =	slt.u32 s8, $0xFFFFF086  }
0x1c: {  	p1 =	slt.u32 s9, $0xF7A;
	s5 =	simm.s32 @!p2 $0x0  }
0x1d: {  	s5 =	simm.s32 @p1 $0x1;
	p0 =	seq.s32 s7, s2  }
0x1e: {  	s7 =	smul.u32 @!p0 $0xF7A, s2;
	p2 =	seq.s32 @!p0 s5, $0x0  }
0x1f: {  	s9 =	smul.u32 $0xF7A, s1;
	s8 =	simm.s32 @!p0 $0x1BF5;
	p2 =	por !p2, p0  }
0x20: {  	[sflag:s8] =	ssyncset.s32 @!p0 $0xFFFFF086;
	s6 =	sadd.s32 @!p0 s3, s7;
	s7 =	simm.s32 @!p0 $0x108  }
0x21: {  	s3 =	sadd.s32 s3, s9;
	s6 =	sadd.s32 @!p0 $0x88, s6;
	s7 =	simm.s32 @p2 $0x1082  }
0x22: {  	[simem:s7], [sflag:s8] =	dma.local @!p0 [hbm:s6], $0xF7A  }
0x23: {  	s9 =	sor.u32 $0xD0000000, s2;
	s6 =	simm.s32 $0x108;
	_ =	swait.ge @!p0 [sflag:s8], $0x0  }
0x24: {  	s3 =	sadd.s32 $0x88, s3;
	s6 =	simm.s32 @!p1 $0x1082;
	[sflag:s4] =	ssyncset.s32 $0xFFFFF086  }
0x25: {  	[simem:s6], [sflag:s4] =	dma.local [hbm:s3], $0xF7A  }
0x26: {  	[smem:$0x3F9D] =	sst s1;
	(tag) =	ssettag s2;
	_ =	strace s9  }
0x27: {  	s1 =	sld [smem:$0x3FAD]  }
0x28: {  	s2 =	sld [smem:$0x3FAE]  }
0x29: {  	s4 =	sld [smem:$0x3FB0]  }
0x2a: {  	p0 =	seq.s32 s5, $0x0;
	s5 =	sld [smem:$0x3FB1]  }
0x2b: {  	s6 =	sld [smem:$0x3FB2]  }
0x2c: {  	s7 =	sld [smem:$0x3FB3]  }
0x2d: {  	s3 =	simm.s32 $0x108;
	s8 =	sld [smem:$0x3FB4]  }
0x2e: {  	s3 =	simm.s32 @!p0 $0x1082;
	s9 =	sld [smem:$0x3FB5]  }
0x2f: {  	lr =	sadd.s32 s0, s3;
	s0 =	sld [smem:$0x3FAC]  }
0x30: {  	s3 =	sld [smem:$0x3FAF]  }
0x31: {  	[smem:$0x3FB8] =	sst s10  }
0x32: {  	s10 =	sld [smem:$0x3FB6];
	_ =	sdelay $0x3  }
0x33: {  	p0 =	seq.s32 s10, $0x1;
	s10 =	sld [smem:$0x3FB8];
	_ =	sdelay $0x3  }
0x34: {  	[smem:$0x3FB8] =	sst s10  }
0x35: {  	s10 =	sld [smem:$0x3FB7];
	_ =	sdelay $0x3  }
0x36: {  	p1 =	seq.s32 s10, $0x1;
	s10 =	sld [smem:$0x3FB8];
	_ =	sdelay $0x3  }
0x37: {  	[smem:$0x3FB8] =	sst s10  }
0x38: {  	s10 =	sld [smem:$0x3FB9]  }
0x39: {  	_ = 	snop;
	(pc) =	sbr.ind lr, $3  }
0x3a: {  	_ = 	snop  }
0x3b: {  	_ = 	snop  }
0x3c: {  	p2 =	seq.s32 s10, $0x1;
	s10 =	sld [smem:$0x3FB8]  }
0x3d: {  	_ =	shalt  }
0x3e: {  	_ =	shalt  }
0x3f: {  	_ =	shalt  }
0x40: {  	_ =	shalt  }
0x41: {  	_ =	shalt  }
0x42: {  	_ =	shalt  }
0x43: {  	_ =	shalt  }
0x44: {  	_ =	shalt  }
0x45: {  	_ =	shalt  }
0x46: {  	_ =	shalt  }
0x47: {  	_ =	shalt  }
0x48: {  	_ =	shalt  }
0x49: {  	_ =	shalt  }
0x4a: {  	_ =	shalt  }
0x4b: {  	_ =	shalt  }
0x4c: {  	_ =	shalt  }
0x4d: {  	_ =	shalt  }
0x4e: {  	_ =	shalt  }
0x4f: {  	_ =	shalt  }
0x50: {  	_ =	shalt  }
0x51: {  	_ =	shalt  }
0x52: {  	_ =	shalt  }
0x53: {  	_ =	shalt  }
0x54: {  	_ =	shalt  }
0x55: {  	_ =	shalt  }
0x56: {  	_ =	shalt  }
0x57: {  	_ =	shalt  }
0x58: {  	_ =	shalt  }
0x59: {  	_ =	shalt  }
0x5a: {  	_ =	shalt  }
0x5b: {  	_ =	shalt  }
0x5c: {  	_ =	shalt  }
0x5d: {  	_ =	shalt  }
0x5e: {  	_ =	shalt  }
0x5f: {  	_ =	shalt  }
0x60: {  	_ =	shalt  }
0x61: {  	_ =	shalt  }
0x62: {  	_ =	shalt  }
0x63: {  	_ =	shalt  }
0x64: {  	_ =	shalt  }
0x65: {  	_ =	shalt  }
0x66: {  	_ =	shalt  }
0x67: {  	_ =	shalt  }
0x68: {  	_ =	shalt  }
0x69: {  	_ =	shalt  }
0x6a: {  	_ =	shalt  }
0x6b: {  	_ =	shalt  }
0x6c: {  	_ =	shalt  }
0x6d: {  	_ =	shalt  }
0x6e: {  	_ =	shalt  }
0x6f: {  	_ =	shalt  }
0x70: {  	_ =	shalt  }
0x71: {  	_ =	shalt  }
0x72: {  	_ =	shalt  }
0x73: {  	_ =	shalt  }
0x74: {  	_ =	shalt  }
0x75: {  	_ =	shalt  }
0x76: {  	_ =	shalt  }
0x77: {  	_ =	shalt  }
0x78: {  	_ =	shalt  }
0x79: {  	_ =	shalt  }
0x7a: {  	_ =	shalt  }
0x7b: {  	_ =	shalt  }
0x7c: {  	_ =	shalt  }
0x7d: {  	_ =	shalt  }
0x7e: {  	_ =	shalt  }
0x7f: {  	_ =	shalt  }
0x80: {  	_ =	shalt  }
0x81: {  	_ =	shalt  }
0x82: {  	_ =	shalt  }
0x83: {  	_ =	shalt  }
0x84: {  	_ =	shalt  }
0x85: {  	_ =	shalt  }
0x86: {  	_ =	shalt  }
0x87: {  	_ =	shalt  }
.Lfunc_end0:
.L_simem_size_0:
called_computation_lowered:
.L_overlay_start_0:
0x88: {  	s2 =	sld [smem:$0x3FD9]  }
0x89: {  	s3 =	sld [smem:$0x3FFE];
	_ =	sdelay $0x1  }
0x8a: {  	s1 =	srdreg.scid  }
0x8b: {  	s0 =	sand.u32 $0x1, s1  }
0x8c: {  	s17 =	sshll.u32 s0, $0xA;
	s2 =	sadd.s32 s3, s2  }
0x8d: {  	s2 =	sadd.s32 s2, s17  }
0x8e: {  	[smem:$0x3FC4] =	sst s2  }
0x8f: {  	_ = 	snop  }
0x90: {  	s2 =	sld [smem:$0x3FD0];
	(tm) =	ssettm $0x1  }
0x91: {  	s18 =	sld [smem:$0x3FFB];
	_ =	sdelay $0x3  }
0x92: {  	_ =	strace s18  }
0x93: {  	s3 =	sld [smem:$0x3FFC];
	_ =	sdelay $0x3  }
0x94: {  	_ =	strace s3  }
0x95: {  	s3 =	sld [smem:$0x3FFD];
	_ =	sdelay $0x3  }
0x96: {  	_ =	strace s3  }
0x97: {  	_ =	strace $0x8FFFFFFF  }
0x98: {  	s19 =	sld [smem:$0x3FDB];
	_ =	sdelay $0x1  }
0x99: {  	s4 =	simm.s32 $_scs_section_size  }
0x9a: {  	s5 =	simm.s32 $_size__tile_overlayer_lowered;
	s6 =	simm.s32 $_tile_overlayer_lowered  }
0x9b: {  	s22 =	simm.s32 $0x1BFF;
	s21 =	sshll.u32 s6, $0x1;
	s3 =	sadd.s32 s4, s19  }
0x9c: {  	s7 =	simm.s32 $0x0;
	s20 =	sshll.u32 s5, $0x1;
	s5 =	sadd.s32 s21, s3  }
0x9d: {  	[timem:s7], [sflag:s22] =	dma.local [hbm:s5], s20  }
0x9e: {  	_ =	swait.ge [sflag:s22], s20  }
0x9f: {  	s4 =	ssub.s32 $0x0, s20;
	[sflag:s22] =	ssyncset.done $0x0  }
0xa0: {  	[sflag:s22] =	ssyncadd.s32 s4;
	_ =	sdelay $0x1  }
0xa1: {  	s23 =	simm.s32 $0x1B8B  }
0xa2: {  	_ =	swait.ge [sflag:s23], $0x1  }
0xa3: {  	[sflag:s23] =	ssyncset.done $0x0  }
0xa4: {  	s25 =	simm.s32 $0x1B8E;
	s24 =	sld [smem:$0x3FFE];
	[sflag:s23] =	ssyncadd.s32 $0xFFFFFFFF  }
0xa5: {  	s26 =	simm.s32 $execute0_lowered;
	[smem:$0x3FD2] =	sst s25  }
0xa6: {  	s5 =	sshll.u32 s26, $0x1;
	_ =	strace $0x80000046;
	[dreg:$0x1] =	wrdreg $0xFFFFFFFF  }
0xa7: {  	s28 =	simm.s32 $_size_execute0_lowered;
	s3 =	sadd.s32 s3, s5;
	[dreg:$0x0] =	wrdreg $0x0  }
0xa8: {  	s5 =	sshll.u32 s28, $0x1;
	[dreg:$0x2] =	wrdreg s3  }
0xa9: {  	[dreg:$0x3] =	wrdreg s5  }
0xaa: {  	[dreg:$0x4] =	wrdreg $0xC0  }
0xab: {  	_ =	task [dreg:s7], $0x5FFFF  }
0xac: {  	[dreg:$0x1] =	wrdreg $0xFFFFFFFF  }
0xad: {  	[dreg:$0x0] =	wrdreg $0x60  }
0xae: {  	[dreg:$0x2] =	wrdreg s2  }
0xaf: {  	[dreg:$0x3] =	wrdreg s24  }
0xb0: {  	[dreg:$0x4] =	wrdreg $0x9  }
0xb1: {  	_ =	task.clear_ibuf [dreg:s7], $0x5FFFF;
	_ =	strace $0x90000046  }
0xb2: {  	s29 =	simm.s32 $0x9;
	_ =	strace $0x80000048  }
0xb3: {  	_ =	swait.ge [sflag:s29], $0x1  }
0xb4: {  	[sflag:s29] =	ssyncadd.s32 $0xFFFFFFFF  }
0xb5: {  	_ =	strace $0x90000048  }
0xb6: {  	_ =	sfence  }
0xb7: {  	s30 =	sld [smem:$0x0];
	_ =	sdelay $0x2  }
0xb8: {  	s31 =	sshll.u32 s1, $0xD;
	s1 =	sshrl.u32 s1, $0x2  }
0xb9: {  	s3 =	sand.u32 $0x4000, s31;
	s1 =	sadd.s32 s1, s30  }
0xba: {  	s0 =	sor.u32 s3, s0;
	s1 =	sshll.u32 s1, $0x11  }
0xbb: {  	s0 =	sor.u32 s1, s0  }
0xbc: {  	s0 =	sadd.s32 $0x8F2B, s0  }
0xbd: {  	[sflag:s0] =	ssyncadd.remote.s32 $0x1  }
0xbe: {  	_ =	sfence.sel $0xFFFF  }
0xbf: {  	[dreg:$0x0] =	wrdreg $0xFFFFFFFF;
	(pc) =	sbr.abs _section_cstart, $3  }
0xc0: {  	[dreg:$0x1] =	wrdreg $0xFFFFFFFF  }
0xc1: {  	_ =	task.clear_ibuf [dreg:s7], $0x2FFFF;
	_ =	strace $0x9FFFFFFF  }
0xc2: {  	(tm) =	ssettm $0x7FFFFFFF  }
0xc3: {  	_ =	shalt  }
tec
execute0_lowered:
.L_overlay_start_1:
0x0: {  	(tag) =	ssettag $0x1  }
0x1: {  	v1 =	vlaneseq.u32  }
0x2: {  	v0 =	vmul.u32 $0x20, v1  }
0x3: {  	v1 =	vmul.u32 $0x32, v1  }
0x4: {  	v2 =	vimm.f32 $0.0e+00;
	v3 =	vimm.f32 $1.000000000e+00;
	v4 =	vor.u32 $0x1B, v0  }
0x5: {  	v5 =	vor.u32 $0x1, v1;
	v6 =	vadd.s32 $0x2, v1;
	v7 =	vadd.s32 $0x3, v1  }
0x6: {  	v8 =	vadd.s32 $0x4, v1;
	v9 =	vadd.s32 $0x5, v1;
	v10 =	vadd.s32 $0x6, v1  }
0x7: {  	v11 =	vadd.s32 $0x7, v1;
	v12 =	vadd.s32 $0x8, v1;
	v13 =	vadd.s32 $0x9, v1  }
0x8: {  	v14 =	vadd.s32 $0x320, v1;
	v15 =	vor.u32 $0x200, v0;
	v16 =	vor.u32 $0x21B, v0  }
0x9: {  	v17 =	vadd.s32 $0x321, v1;
	v18 =	vadd.s32 $0x322, v1;
	v19 =	vadd.s32 $0x323, v1  }
0xa: {  	v20 =	vadd.s32 $0x324, v1;
	v21 =	vadd.s32 $0x325, v1;
	v22 =	vadd.s32 $0x326, v1  }
0xb: {  	v23 =	vadd.s32 $0x327, v1;
	v24 =	vadd.s32 $0x328, v1;
	v25 =	vadd.s32 $0x329, v1  }
0xc: {  	v26 =	vadd.s32 $0x640, v1;
	v27 =	vor.u32 $0x400, v0;
	v28 =	vor.u32 $0x41B, v0  }
0xd: {  	v29 =	vadd.s32 $0x641, v1;
	v30 =	vadd.s32 $0x642, v1;
	v31 =	vadd.s32 $0x643, v1  }
0xe: {  	s3 =	rddreg [dreg:$0x0];
	s1 =	srdreg.scid;
	v32 =	vadd.s32 $0x644, v1;
	v33 =	vadd.s32 $0x645, v1;
	v34 =	vadd.s32 $0x646, v1  }
0xf: {  	s0 =	stileid.u32;
	s4 =	rddreg [dreg:$0x1];
	v35 =	vadd.s32 $0x647, v1;
	v36 =	vadd.s32 $0x648, v1;
	v37 =	vadd.s32 $0x649, v1  }
0x10: {  	s2 =	simm.s32 $0x0;
	s10 =	simm.s32 $0x3200;
	s11 =	simm.s32 $0x3;
	v38 =	vadd.s32 $0x960, v1;
	v39 =	vor.u32 $0x600, v0;
	v40 =	vor.u32 $0x61B, v0  }
0x11: {  	s5 =	sand.u32 $0x1, s1;
	s6 =	sshll.u32 s0, $0x1;
	s1 =	rddreg [dreg:$0x2];
	v41 =	vadd.s32 $0x961, v1;
	v42 =	vadd.s32 $0x962, v1;
	v43 =	vadd.s32 $0x963, v1  }
0x12: {  	s12 =	simm.s32 $0x0;
	[smem:$0x7FF] =	sst s2;
	s6 =	sor.u32 s5, s6;
	v44 =	vadd.s32 $0x964, v1;
	v45 =	vadd.s32 $0x965, v1;
	v46 =	vadd.s32 $0x966, v1  }
0x13: {  	s5 =	ssub.s32 $0x2, s5;
	s7 =	smul.u32 $0x320, s6;
	s6 =	sshll.u32 s6, $0x9;
	v47 =	vadd.s32 $0x967, v1;
	v48 =	vadd.s32 $0x968, v1;
	v49 =	vadd.s32 $0x969, v1  }
0x14: {  	_ =	strace $0x80000047;
	s9 =	sshrl.u32 s5, $0x1;
	v50 =	vadd.s32 $0xC80, v1;
	v51 =	vor.u32 $0x800, v0;
	v52 =	vor.u32 $0x81B, v0;
	s6 =	sadd.s32 s6, s4  }
0x15: {  	v53 =	vadd.s32 $0xC81, v1;
	v54 =	vadd.s32 $0xC82, v1;
	v55 =	vadd.s32 $0xC83, v1;
	s9 =	ssub.s32 s5, s9;
	s8 =	sadd.s32 s7, s4;
	s3 =	sadd.s32 s3, s7  }
0x16: {  	v56 =	vadd.s32 $0xC84, v1;
	v57 =	vadd.s32 $0xC85, v1;
	v58 =	vadd.s32 $0xC86, v1;
	[tilespmem:$0x1FFE0] =	vst v5;
	s5 =	sadd.s32 $0x6E00, s6;
	s6 =	smax.u32 s9, $0x1;
	s7 =	simm.s32 $0x1900  }
0x17: {  	v59 =	vadd.s32 $0xC87, v1;
	v60 =	vadd.s32 $0xC88, v1;
	v61 =	vadd.s32 $0xC89, v1;
	[tilespmem:$0x1FFF0] =	vst v6;
	s9 =	simm.s32 $0x2;
	s4 =	sadd.s32 $0xA00, s8;
	s8 =	simm.s32 $0x1  }
.LBB2_1:
0x18: {  	[tilespmem:s2], [sflag:$0x1] =	stream.linear.gather [hbm4b:s3+s2], $0x1900, $0x38;
	[tilespmem:$0x4200] =	vst v63  }
0x19: {  	s13 =	simm.s32 $0x0;
	s14 =	simm.s32 $0x200  }
0x1a: {  	[tilespmem:s7], [sflag:$0x2] =	stream.linear.gather [hbm4b:s4+s2], $0x1900, $0x38;
	[tilespmem:$0x4200] =	vst v63  }
.LBB2_2:
0x1b: {  	p0 =	sne.s32 s14, $0x3E00;
	[tilespmem:s13+$0x3270] =	vst v2  }
0x1c: {  	[tilespmem:s13+$0x3200] =	vst v2  }
0x1d: {  	[tilespmem:s13+$0x3210] =	vst v2  }
.Ltmp0:
0x1e: {  	[tilespmem:s13+$0x3220] =	vst v2;
	(pc) =	sbr.rel @p0 .LBB2_2-.Ltmp0, $4  }
0x1f: {  	[tilespmem:s13+$0x3230] =	vst v2  }
0x20: {  	[tilespmem:s13+$0x3240] =	vst v2  }
0x21: {  	[tilespmem:s13+$0x3250] =	vst v2  }
0x22: {  	[tilespmem:s13+$0x3260] =	vst v2;
	s13 =	sshra.s32 s14, $0x2;
	s14 =	sadd.s32 $0x200, s14  }
0x23: {  	[tilespmem:s13+$0x3270] =	vst v2  }
0x24: {  	[tilespmem:s13+$0x3200] =	vst v2  }
0x25: {  	[tilespmem:s13+$0x3210] =	vst v2  }
0x26: {  	[tilespmem:s13+$0x3220] =	vst v2  }
0x27: {  	[tilespmem:s13+$0x3230] =	vst v2  }
0x28: {  	[tilespmem:s13+$0x3240] =	vst v2  }
0x29: {  	[tilespmem:s13+$0x3250] =	vst v2  }
0x2a: {  	[tilespmem:s13+$0x3260] =	vst v2  }
0x2b: {  	_ =	swait.ge [sflag:s8], $0x1900  }
0x2c: {  	[sflag:s8] =	ssyncset.done $0x0  }
0x2d: {  	[sflag:s8] =	ssyncadd.s32 $0xFFFFE700  }
0x2e: {  	_ =	swait.ge [sflag:s9], $0x1900  }
0x2f: {  	[sflag:s9] =	ssyncset.done $0x0  }
0x30: {  	s14 =	simm.s32 $0x0;
	s13 =	simm.s32 $0x0;
	[sflag:s9] =	ssyncadd.s32 $0xFFFFE700  }
.LBB2_4:
0x31: {  	v62 =	vadd.s32 s13, v1;
	_ =	sdelay $0x4  }
0x32: {  	v63 =	vld.idx.msk [tilespmem:v62+s14+$0x0], $0xffff;
	_ =	sdelay $0x4  }
0x33: {  	v63 =	vadd.s32 v0, v63;
	_ =	sdelay $0x4  }
0x34: {  	[tilespmem:v63+s10+$0x0] =	vst.idx.add.f32.msk $0xffff, v3  }
0x35: {  	v62 =	vld.idx.msk [tilespmem:v62+s7+$0x0], $0xffff;
	_ =	sdelay $0x4  }
0x36: {  	v62 =	vadd.s32 v4, v62  }
0x37: {  	v63 =	vadd.s32 s13, v5;
	_ =	sdelay $0x3  }
0x38: {  	[tilespmem:v62+s10+$0x0] =	vst.idx.add.f32.msk $0xffff, v3  }
0x39: {  	v62 =	vld.idx.msk [tilespmem:v63+s14+$0x0], $0xffff;
	_ =	sdelay $0x4  }
0x3a: {  	v62 =	vadd.s32 v0, v62;
	_ =	sdelay $0x4  }
0x3b: {  	[tilespmem:v62+s10+$0x0] =	vst.idx.add.f32.msk $0xffff, v3  }
0x3c: {  	v62 =	vld.idx.msk [tilespmem:v63+s7+$0x0], $0xffff;
	_ =	sdelay $0x4  }
0x3d: {  	v62 =	vadd.s32 v4, v62  }
0x3e: {  	v63 =	vadd.s32 s13, v6;
	_ =	sdelay $0x3  }
0x3f: {  	[tilespmem:v62+s10+$0x0] =	vst.idx.add.f32.msk $0xffff, v3  }
0x40: {  	v62 =	vld.idx.msk [tilespmem:v63+s14+$0x0], $0xffff;
	_ =	sdelay $0x4  }
0x41: {  	v62 =	vadd.s32 v0, v62;
	_ =	sdelay $0x4  }
0x42: {  	[tilespmem:v62+s10+$0x0] =	vst.idx.add.f32.msk $0xffff, v3  }
0x43: {  	v62 =	vld.idx.msk [tilespmem:v63+s7+$0x0], $0xffff;
	_ =	sdelay $0x4  }
0x44: {  	v62 =	vadd.s32 v4, v62  }
0x45: {  	v63 =	vadd.s32 s13, v7;
	_ =	sdelay $0x3  }
0x46: {  	[tilespmem:v62+s10+$0x0] =	vst.idx.add.f32.msk $0xffff, v3  }
0x47: {  	v62 =	vld.idx.msk [tilespmem:v63+s14+$0x0], $0xffff;
	_ =	sdelay $0x4  }
0x48: {  	v62 =	vadd.s32 v0, v62;
	_ =	sdelay $0x4  }
0x49: {  	[tilespmem:v62+s10+$0x0] =	vst.idx.add.f32.msk $0xffff, v3  }
0x4a: {  	v62 =	vld.idx.msk [tilespmem:v63+s7+$0x0], $0xffff;
	_ =	sdelay $0x4  }
0x4b: {  	v62 =	vadd.s32 v4, v62  }
0x4c: {  	v63 =	vadd.s32 s13, v8;
	_ =	sdelay $0x3  }
0x4d: {  	[tilespmem:v62+s10+$0x0] =	vst.idx.add.f32.msk $0xffff, v3  }
0x4e: {  	v62 =	vld.idx.msk [tilespmem:v63+s14+$0x0], $0xffff;
	_ =	sdelay $0x4  }
0x4f: {  	v62 =	vadd.s32 v0, v62;
	_ =	sdelay $0x4  }
0x50: {  	[tilespmem:v62+s10+$0x0] =	vst.idx.add.f32.msk $0xffff, v3  }
0x51: {  	v62 =	vld.idx.msk [tilespmem:v63+s7+$0x0], $0xffff;
	_ =	sdelay $0x4  }
0x52: {  	v62 =	vadd.s32 v4, v62  }
0x53: {  	v63 =	vadd.s32 s13, v9;
	_ =	sdelay $0x3  }
0x54: {  	[tilespmem:v62+s10+$0x0] =	vst.idx.add.f32.msk $0xffff, v3  }
0x55: {  	v62 =	vld.idx.msk [tilespmem:v63+s14+$0x0], $0xffff;
	_ =	sdelay $0x4  }
0x56: {  	v62 =	vadd.s32 v0, v62;
	_ =	sdelay $0x4  }
0x57: {  	[tilespmem:v62+s10+$0x0] =	vst.idx.add.f32.msk $0xffff, v3  }
0x58: {  	v62 =	vld.idx.msk [tilespmem:v63+s7+$0x0], $0xffff;
	_ =	sdelay $0x4  }
0x59: {  	v62 =	vadd.s32 v4, v62  }
0x5a: {  	v63 =	vadd.s32 s13, v10;
	_ =	sdelay $0x3  }
0x5b: {  	[tilespmem:v62+s10+$0x0] =	vst.idx.add.f32.msk $0xffff, v3  }
0x5c: {  	v62 =	vld.idx.msk [tilespmem:v63+s14+$0x0], $0xffff;
	_ =	sdelay $0x4  }
0x5d: {  	v62 =	vadd.s32 v0, v62;
	_ =	sdelay $0x4  }
0x5e: {  	[tilespmem:v62+s10+$0x0] =	vst.idx.add.f32.msk $0xffff, v3  }
0x5f: {  	v62 =	vld.idx.msk [tilespmem:v63+s7+$0x0], $0xffff;
	_ =	sdelay $0x4  }
0x60: {  	v62 =	vadd.s32 v4, v62  }
0x61: {  	v63 =	vadd.s32 s13, v11;
	_ =	sdelay $0x3  }
0x62: {  	[tilespmem:v62+s10+$0x0] =	vst.idx.add.f32.msk $0xffff, v3  }
0x63: {  	v62 =	vld.idx.msk [tilespmem:v63+s14+$0x0], $0xffff;
	_ =	sdelay $0x4  }
0x64: {  	v62 =	vadd.s32 v0, v62;
	_ =	sdelay $0x4  }
0x65: {  	[tilespmem:v62+s10+$0x0] =	vst.idx.add.f32.msk $0xffff, v3  }
0x66: {  	v62 =	vld.idx.msk [tilespmem:v63+s7+$0x0], $0xffff;
	_ =	sdelay $0x4  }
0x67: {  	v62 =	vadd.s32 v4, v62  }
0x68: {  	v63 =	vadd.s32 s13, v12;
	_ =	sdelay $0x3  }
0x69: {  	[tilespmem:v62+s10+$0x0] =	vst.idx.add.f32.msk $0xffff, v3  }
0x6a: {  	v62 =	vld.idx.msk [tilespmem:v63+s14+$0x0], $0xffff;
	_ =	sdelay $0x4  }
0x6b: {  	v62 =	vadd.s32 v0, v62;
	_ =	sdelay $0x4  }
0x6c: {  	[tilespmem:v62+s10+$0x0] =	vst.idx.add.f32.msk $0xffff, v3  }
0x6d: {  	v62 =	vld.idx.msk [tilespmem:v63+s7+$0x0], $0xffff;
	_ =	sdelay $0x4  }
0x6e: {  	v62 =	vadd.s32 v4, v62  }
0x6f: {  	v63 =	vadd.s32 s13, v13;
	_ =	sdelay $0x3  }
0x70: {  	[tilespmem:v62+s10+$0x0] =	vst.idx.add.f32.msk $0xffff, v3  }
0x71: {  	v62 =	vld.idx.msk [tilespmem:v63+s14+$0x0], $0xffff;
	_ =	sdelay $0x4  }
0x72: {  	v62 =	vadd.s32 v0, v62;
	_ =	sdelay $0x4  }
0x73: {  	[tilespmem:v62+s10+$0x0] =	vst.idx.add.f32.msk $0xffff, v3  }
0x74: {  	v62 =	vld.idx.msk [tilespmem:v63+s7+$0x0], $0xffff;
	_ =	sdelay $0x4  }
0x75: {  	p0 =	sne.s32 s13, $0x28;
	v62 =	vadd.s32 v4, v62  }
.Ltmp1:
0x76: {  	_ = 	snop;
	(pc) =	sbr.rel @p0 .LBB2_4-.Ltmp1, $2  }
0x77: {  	_ =	sdelay $0x2  }
0x78: {  	s13 =	sadd.s32 $0xA, s13;
	[tilespmem:v62+s10+$0x0] =	vst.idx.add.f32.msk $0xffff, v3  }
.LBB2_5:
0x79: {  	v62 =	vadd.s32 s14, v14;
	_ =	sdelay $0x3  }
0x7a: {  	s13 =	simm.s32 $0x0  }
0x7b: {  	v63 =	vld.idx.msk [tilespmem:v62+s13+$0x0], $0xffff;
	_ =	sdelay $0x4  }
0x7c: {  	v63 =	vadd.s32 v15, v63;
	_ =	sdelay $0x4  }
0x7d: {  	[tilespmem:v63+s10+$0x0] =	vst.idx.add.f32.msk $0xffff, v3  }
0x7e: {  	v62 =	vld.idx.msk [tilespmem:v62+s7+$0x0], $0xffff;
	_ =	sdelay $0x4  }
0x7f: {  	v62 =	vadd.s32 v16, v62  }
0x80: {  	v63 =	vadd.s32 s14, v17;
	_ =	sdelay $0x3  }
0x81: {  	[tilespmem:v62+s10+$0x0] =	vst.idx.add.f32.msk $0xffff, v3  }
0x82: {  	v62 =	vld.idx.msk [tilespmem:v63+s13+$0x0], $0xffff;
	_ =	sdelay $0x4  }
0x83: {  	v62 =	vadd.s32 v15, v62;
	_ =	sdelay $0x4  }
0x84: {  	[tilespmem:v62+s10+$0x0] =	vst.idx.add.f32.msk $0xffff, v3  }
0x85: {  	v62 =	vld.idx.msk [tilespmem:v63+s7+$0x0], $0xffff;
	_ =	sdelay $0x4  }
0x86: {  	v62 =	vadd.s32 v16, v62  }
0x87: {  	v63 =	vadd.s32 s14, v18;
	_ =	sdelay $0x3  }
0x88: {  	[tilespmem:v62+s10+$0x0] =	vst.idx.add.f32.msk $0xffff, v3  }
0x89: {  	v62 =	vld.idx.msk [tilespmem:v63+s13+$0x0], $0xffff;
	_ =	sdelay $0x4  }
0x8a: {  	v62 =	vadd.s32 v15, v62;
	_ =	sdelay $0x4  }
0x8b: {  	[tilespmem:v62+s10+$0x0] =	vst.idx.add.f32.msk $0xffff, v3  }
0x8c: {  	v62 =	vld.idx.msk [tilespmem:v63+s7+$0x0], $0xffff;
	_ =	sdelay $0x4  }
0x8d: {  	v62 =	vadd.s32 v16, v62  }
0x8e: {  	v63 =	vadd.s32 s14, v19;
	_ =	sdelay $0x3  }
0x8f: {  	[tilespmem:v62+s10+$0x0] =	vst.idx.add.f32.msk $0xffff, v3  }
0x90: {  	v62 =	vld.idx.msk [tilespmem:v63+s13+$0x0], $0xffff;
	_ =	sdelay $0x4  }
0x91: {  	v62 =	vadd.s32 v15, v62;
	_ =	sdelay $0x4  }
0x92: {  	[tilespmem:v62+s10+$0x0] =	vst.idx.add.f32.msk $0xffff, v3  }
0x93: {  	v62 =	vld.idx.msk [tilespmem:v63+s7+$0x0], $0xffff;
	_ =	sdelay $0x4  }
0x94: {  	v62 =	vadd.s32 v16, v62  }
0x95: {  	v63 =	vadd.s32 s14, v20;
	_ =	sdelay $0x3  }
0x96: {  	[tilespmem:v62+s10+$0x0] =	vst.idx.add.f32.msk $0xffff, v3  }
0x97: {  	v62 =	vld.idx.msk [tilespmem:v63+s13+$0x0], $0xffff;
	_ =	sdelay $0x4  }
0x98: {  	v62 =	vadd.s32 v15, v62;
	_ =	sdelay $0x4  }
0x99: {  	[tilespmem:v62+s10+$0x0] =	vst.idx.add.f32.msk $0xffff, v3  }
0x9a: {  	v62 =	vld.idx.msk [tilespmem:v63+s7+$0x0], $0xffff;
	_ =	sdelay $0x4  }
0x9b: {  	v62 =	vadd.s32 v16, v62  }
0x9c: {  	v63 =	vadd.s32 s14, v21;
	_ =	sdelay $0x3  }
0x9d: {  	[tilespmem:v62+s10+$0x0] =	vst.idx.add.f32.msk $0xffff, v3  }
0x9e: {  	v62 =	vld.idx.msk [tilespmem:v63+s13+$0x0], $0xffff;
	_ =	sdelay $0x4  }
0x9f: {  	v62 =	vadd.s32 v15, v62;
	_ =	sdelay $0x4  }
0xa0: {  	[tilespmem:v62+s10+$0x0] =	vst.idx.add.f32.msk $0xffff, v3  }
0xa1: {  	v62 =	vld.idx.msk [tilespmem:v63+s7+$0x0], $0xffff;
	_ =	sdelay $0x4  }
0xa2: {  	v62 =	vadd.s32 v16, v62  }
0xa3: {  	v63 =	vadd.s32 s14, v22;
	_ =	sdelay $0x3  }
0xa4: {  	[tilespmem:v62+s10+$0x0] =	vst.idx.add.f32.msk $0xffff, v3  }
0xa5: {  	v62 =	vld.idx.msk [tilespmem:v63+s13+$0x0], $0xffff;
	_ =	sdelay $0x4  }
0xa6: {  	v62 =	vadd.s32 v15, v62;
	_ =	sdelay $0x4  }
0xa7: {  	[tilespmem:v62+s10+$0x0] =	vst.idx.add.f32.msk $0xffff, v3  }
0xa8: {  	v62 =	vld.idx.msk [tilespmem:v63+s7+$0x0], $0xffff;
	_ =	sdelay $0x4  }
0xa9: {  	v62 =	vadd.s32 v16, v62  }
0xaa: {  	v63 =	vadd.s32 s14, v23;
	_ =	sdelay $0x3  }
0xab: {  	[tilespmem:v62+s10+$0x0] =	vst.idx.add.f32.msk $0xffff, v3  }
0xac: {  	v62 =	vld.idx.msk [tilespmem:v63+s13+$0x0], $0xffff;
	_ =	sdelay $0x4  }
0xad: {  	v62 =	vadd.s32 v15, v62;
	_ =	sdelay $0x4  }
0xae: {  	[tilespmem:v62+s10+$0x0] =	vst.idx.add.f32.msk $0xffff, v3  }
0xaf: {  	v62 =	vld.idx.msk [tilespmem:v63+s7+$0x0], $0xffff;
	_ =	sdelay $0x4  }
0xb0: {  	v62 =	vadd.s32 v16, v62  }
0xb1: {  	v63 =	vadd.s32 s14, v24;
	_ =	sdelay $0x3  }
0xb2: {  	[tilespmem:v62+s10+$0x0] =	vst.idx.add.f32.msk $0xffff, v3  }
0xb3: {  	v62 =	vld.idx.msk [tilespmem:v63+s13+$0x0], $0xffff;
	_ =	sdelay $0x4  }
0xb4: {  	v62 =	vadd.s32 v15, v62;
	_ =	sdelay $0x4  }
0xb5: {  	[tilespmem:v62+s10+$0x0] =	vst.idx.add.f32.msk $0xffff, v3  }
0xb6: {  	v62 =	vld.idx.msk [tilespmem:v63+s7+$0x0], $0xffff;
	_ =	sdelay $0x4  }
0xb7: {  	v62 =	vadd.s32 v16, v62  }
0xb8: {  	v63 =	vadd.s32 s14, v25;
	_ =	sdelay $0x3  }
0xb9: {  	[tilespmem:v62+s10+$0x0] =	vst.idx.add.f32.msk $0xffff, v3  }
0xba: {  	v62 =	vld.idx.msk [tilespmem:v63+s13+$0x0], $0xffff;
	_ =	sdelay $0x4  }
0xbb: {  	v62 =	vadd.s32 v15, v62;
	_ =	sdelay $0x4  }
0xbc: {  	[tilespmem:v62+s10+$0x0] =	vst.idx.add.f32.msk $0xffff, v3  }
0xbd: {  	v62 =	vld.idx.msk [tilespmem:v63+s7+$0x0], $0xffff;
	_ =	sdelay $0x4  }
0xbe: {  	p0 =	sne.s32 s14, $0x28;
	v62 =	vadd.s32 v16, v62  }
.Ltmp2:
0xbf: {  	_ = 	snop;
	(pc) =	sbr.rel @p0 .LBB2_5-.Ltmp2, $2  }
0xc0: {  	_ =	sdelay $0x2  }
0xc1: {  	s14 =	sadd.s32 $0xA, s14;
	[tilespmem:v62+s10+$0x0] =	vst.idx.add.f32.msk $0xffff, v3  }
0xc2: {  	s14 =	simm.s32 $0x0  }
.LBB2_7:
0xc3: {  	v62 =	vadd.s32 s14, v26;
	_ =	sdelay $0x4  }
0xc4: {  	v63 =	vld.idx.msk [tilespmem:v62+s13+$0x0], $0xffff;
	_ =	sdelay $0x4  }
0xc5: {  	v63 =	vadd.s32 v27, v63;
	_ =	sdelay $0x4  }
0xc6: {  	[tilespmem:v63+s10+$0x0] =	vst.idx.add.f32.msk $0xffff, v3  }
0xc7: {  	v62 =	vld.idx.msk [tilespmem:v62+s7+$0x0], $0xffff;
	_ =	sdelay $0x4  }
0xc8: {  	v62 =	vadd.s32 v28, v62  }
0xc9: {  	v63 =	vadd.s32 s14, v29;
	_ =	sdelay $0x3  }
0xca: {  	[tilespmem:v62+s10+$0x0] =	vst.idx.add.f32.msk $0xffff, v3  }
0xcb: {  	v62 =	vld.idx.msk [tilespmem:v63+s13+$0x0], $0xffff;
	_ =	sdelay $0x4  }
0xcc: {  	v62 =	vadd.s32 v27, v62;
	_ =	sdelay $0x4  }
0xcd: {  	[tilespmem:v62+s10+$0x0] =	vst.idx.add.f32.msk $0xffff, v3  }
0xce: {  	v62 =	vld.idx.msk [tilespmem:v63+s7+$0x0], $0xffff;
	_ =	sdelay $0x4  }
0xcf: {  	v62 =	vadd.s32 v28, v62  }
0xd0: {  	v63 =	vadd.s32 s14, v30;
	_ =	sdelay $0x3  }
0xd1: {  	[tilespmem:v62+s10+$0x0] =	vst.idx.add.f32.msk $0xffff, v3  }
0xd2: {  	v62 =	vld.idx.msk [tilespmem:v63+s13+$0x0], $0xffff;
	_ =	sdelay $0x4  }
0xd3: {  	v62 =	vadd.s32 v27, v62;
	_ =	sdelay $0x4  }
0xd4: {  	[tilespmem:v62+s10+$0x0] =	vst.idx.add.f32.msk $0xffff, v3  }
0xd5: {  	v62 =	vld.idx.msk [tilespmem:v63+s7+$0x0], $0xffff;
	_ =	sdelay $0x4  }
0xd6: {  	v62 =	vadd.s32 v28, v62  }
0xd7: {  	v63 =	vadd.s32 s14, v31;
	_ =	sdelay $0x3  }
0xd8: {  	[tilespmem:v62+s10+$0x0] =	vst.idx.add.f32.msk $0xffff, v3  }
0xd9: {  	v62 =	vld.idx.msk [tilespmem:v63+s13+$0x0], $0xffff;
	_ =	sdelay $0x4  }
0xda: {  	v62 =	vadd.s32 v27, v62;
	_ =	sdelay $0x4  }
0xdb: {  	[tilespmem:v62+s10+$0x0] =	vst.idx.add.f32.msk $0xffff, v3  }
0xdc: {  	v62 =	vld.idx.msk [tilespmem:v63+s7+$0x0], $0xffff;
	_ =	sdelay $0x4  }
0xdd: {  	v62 =	vadd.s32 v28, v62  }
0xde: {  	v63 =	vadd.s32 s14, v32;
	_ =	sdelay $0x3  }
0xdf: {  	[tilespmem:v62+s10+$0x0] =	vst.idx.add.f32.msk $0xffff, v3  }
0xe0: {  	v62 =	vld.idx.msk [tilespmem:v63+s13+$0x0], $0xffff;
	_ =	sdelay $0x4  }
0xe1: {  	v62 =	vadd.s32 v27, v62;
	_ =	sdelay $0x4  }
0xe2: {  	[tilespmem:v62+s10+$0x0] =	vst.idx.add.f32.msk $0xffff, v3  }
0xe3: {  	v62 =	vld.idx.msk [tilespmem:v63+s7+$0x0], $0xffff;
	_ =	sdelay $0x4  }
0xe4: {  	v62 =	vadd.s32 v28, v62  }
0xe5: {  	v63 =	vadd.s32 s14, v33;
	_ =	sdelay $0x3  }
0xe6: {  	[tilespmem:v62+s10+$0x0] =	vst.idx.add.f32.msk $0xffff, v3  }
0xe7: {  	v62 =	vld.idx.msk [tilespmem:v63+s13+$0x0], $0xffff;
	_ =	sdelay $0x4  }
0xe8: {  	v62 =	vadd.s32 v27, v62;
	_ =	sdelay $0x4  }
0xe9: {  	[tilespmem:v62+s10+$0x0] =	vst.idx.add.f32.msk $0xffff, v3  }
0xea: {  	v62 =	vld.idx.msk [tilespmem:v63+s7+$0x0], $0xffff;
	_ =	sdelay $0x4  }
0xeb: {  	v62 =	vadd.s32 v28, v62  }
0xec: {  	v63 =	vadd.s32 s14, v34;
	_ =	sdelay $0x3  }
0xed: {  	[tilespmem:v62+s10+$0x0] =	vst.idx.add.f32.msk $0xffff, v3  }
0xee: {  	v62 =	vld.idx.msk [tilespmem:v63+s13+$0x0], $0xffff;
	_ =	sdelay $0x4  }
0xef: {  	v62 =	vadd.s32 v27, v62;
	_ =	sdelay $0x4  }
0xf0: {  	[tilespmem:v62+s10+$0x0] =	vst.idx.add.f32.msk $0xffff, v3  }
0xf1: {  	v62 =	vld.idx.msk [tilespmem:v63+s7+$0x0], $0xffff;
	_ =	sdelay $0x4  }
0xf2: {  	v62 =	vadd.s32 v28, v62  }
0xf3: {  	v63 =	vadd.s32 s14, v35;
	_ =	sdelay $0x3  }
0xf4: {  	[tilespmem:v62+s10+$0x0] =	vst.idx.add.f32.msk $0xffff, v3  }
0xf5: {  	v62 =	vld.idx.msk [tilespmem:v63+s13+$0x0], $0xffff;
	_ =	sdelay $0x4  }
0xf6: {  	v62 =	vadd.s32 v27, v62;
	_ =	sdelay $0x4  }
0xf7: {  	[tilespmem:v62+s10+$0x0] =	vst.idx.add.f32.msk $0xffff, v3  }
0xf8: {  	v62 =	vld.idx.msk [tilespmem:v63+s7+$0x0], $0xffff;
	_ =	sdelay $0x4  }
0xf9: {  	v62 =	vadd.s32 v28, v62  }
0xfa: {  	v63 =	vadd.s32 s14, v36;
	_ =	sdelay $0x3  }
0xfb: {  	[tilespmem:v62+s10+$0x0] =	vst.idx.add.f32.msk $0xffff, v3  }
0xfc: {  	v62 =	vld.idx.msk [tilespmem:v63+s13+$0x0], $0xffff;
	_ =	sdelay $0x4  }
0xfd: {  	v62 =	vadd.s32 v27, v62;
	_ =	sdelay $0x4  }
0xfe: {  	[tilespmem:v62+s10+$0x0] =	vst.idx.add.f32.msk $0xffff, v3  }
0xff: {  	v62 =	vld.idx.msk [tilespmem:v63+s7+$0x0], $0xffff;
	_ =	sdelay $0x4  }
0x100: {  	v62 =	vadd.s32 v28, v62  }
0x101: {  	v63 =	vadd.s32 s14, v37;
	_ =	sdelay $0x3  }
0x102: {  	[tilespmem:v62+s10+$0x0] =	vst.idx.add.f32.msk $0xffff, v3  }
0x103: {  	v62 =	vld.idx.msk [tilespmem:v63+s13+$0x0], $0xffff;
	_ =	sdelay $0x4  }
0x104: {  	v62 =	vadd.s32 v27, v62;
	_ =	sdelay $0x4  }
0x105: {  	[tilespmem:v62+s10+$0x0] =	vst.idx.add.f32.msk $0xffff, v3  }
0x106: {  	v62 =	vld.idx.msk [tilespmem:v63+s7+$0x0], $0xffff;
	_ =	sdelay $0x4  }
0x107: {  	p0 =	sne.s32 s14, $0x28;
	v62 =	vadd.s32 v28, v62  }
.Ltmp3:
0x108: {  	_ = 	snop;
	(pc) =	sbr.rel @p0 .LBB2_7-.Ltmp3, $2  }
0x109: {  	_ =	sdelay $0x2  }
0x10a: {  	s14 =	sadd.s32 $0xA, s14;
	[tilespmem:v62+s10+$0x0] =	vst.idx.add.f32.msk $0xffff, v3  }
.LBB2_8:
0x10b: {  	v62 =	vadd.s32 s13, v38;
	_ =	sdelay $0x3  }
0x10c: {  	s14 =	simm.s32 $0x0  }
0x10d: {  	v63 =	vld.idx.msk [tilespmem:v62+s14+$0x0], $0xffff;
	_ =	sdelay $0x4  }
0x10e: {  	v63 =	vadd.s32 v39, v63;
	_ =	sdelay $0x4  }
0x10f: {  	[tilespmem:v63+s10+$0x0] =	vst.idx.add.f32.msk $0xffff, v3  }
0x110: {  	v62 =	vld.idx.msk [tilespmem:v62+s7+$0x0], $0xffff;
	_ =	sdelay $0x4  }
0x111: {  	v62 =	vadd.s32 v40, v62  }
0x112: {  	v63 =	vadd.s32 s13, v41;
	_ =	sdelay $0x3  }
0x113: {  	[tilespmem:v62+s10+$0x0] =	vst.idx.add.f32.msk $0xffff, v3  }
0x114: {  	v62 =	vld.idx.msk [tilespmem:v63+s14+$0x0], $0xffff;
	_ =	sdelay $0x4  }
0x115: {  	v62 =	vadd.s32 v39, v62;
	_ =	sdelay $0x4  }
0x116: {  	[tilespmem:v62+s10+$0x0] =	vst.idx.add.f32.msk $0xffff, v3  }
0x117: {  	v62 =	vld.idx.msk [tilespmem:v63+s7+$0x0], $0xffff;
	_ =	sdelay $0x4  }
0x118: {  	v62 =	vadd.s32 v40, v62  }
0x119: {  	v63 =	vadd.s32 s13, v42;
	_ =	sdelay $0x3  }
0x11a: {  	[tilespmem:v62+s10+$0x0] =	vst.idx.add.f32.msk $0xffff, v3  }
0x11b: {  	v62 =	vld.idx.msk [tilespmem:v63+s14+$0x0], $0xffff;
	_ =	sdelay $0x4  }
0x11c: {  	v62 =	vadd.s32 v39, v62;
	_ =	sdelay $0x4  }
0x11d: {  	[tilespmem:v62+s10+$0x0] =	vst.idx.add.f32.msk $0xffff, v3  }
0x11e: {  	v62 =	vld.idx.msk [tilespmem:v63+s7+$0x0], $0xffff;
	_ =	sdelay $0x4  }
0x11f: {  	v62 =	vadd.s32 v40, v62  }
0x120: {  	v63 =	vadd.s32 s13, v43;
	_ =	sdelay $0x3  }
0x121: {  	[tilespmem:v62+s10+$0x0] =	vst.idx.add.f32.msk $0xffff, v3  }
0x122: {  	v62 =	vld.idx.msk [tilespmem:v63+s14+$0x0], $0xffff;
	_ =	sdelay $0x4  }
0x123: {  	v62 =	vadd.s32 v39, v62;
	_ =	sdelay $0x4  }
0x124: {  	[tilespmem:v62+s10+$0x0] =	vst.idx.add.f32.msk $0xffff, v3  }
0x125: {  	v62 =	vld.idx.msk [tilespmem:v63+s7+$0x0], $0xffff;
	_ =	sdelay $0x4  }
0x126: {  	v62 =	vadd.s32 v40, v62  }
0x127: {  	v63 =	vadd.s32 s13, v44;
	_ =	sdelay $0x3  }
0x128: {  	[tilespmem:v62+s10+$0x0] =	vst.idx.add.f32.msk $0xffff, v3  }
0x129: {  	v62 =	vld.idx.msk [tilespmem:v63+s14+$0x0], $0xffff;
	_ =	sdelay $0x4  }
0x12a: {  	v62 =	vadd.s32 v39, v62;
	_ =	sdelay $0x4  }
0x12b: {  	[tilespmem:v62+s10+$0x0] =	vst.idx.add.f32.msk $0xffff, v3  }
0x12c: {  	v62 =	vld.idx.msk [tilespmem:v63+s7+$0x0], $0xffff;
	_ =	sdelay $0x4  }
0x12d: {  	v62 =	vadd.s32 v40, v62  }
0x12e: {  	v63 =	vadd.s32 s13, v45;
	_ =	sdelay $0x3  }
0x12f: {  	[tilespmem:v62+s10+$0x0] =	vst.idx.add.f32.msk $0xffff, v3  }
0x130: {  	v62 =	vld.idx.msk [tilespmem:v63+s14+$0x0], $0xffff;
	_ =	sdelay $0x4  }
0x131: {  	v62 =	vadd.s32 v39, v62;
	_ =	sdelay $0x4  }
0x132: {  	[tilespmem:v62+s10+$0x0] =	vst.idx.add.f32.msk $0xffff, v3  }
0x133: {  	v62 =	vld.idx.msk [tilespmem:v63+s7+$0x0], $0xffff;
	_ =	sdelay $0x4  }
0x134: {  	v62 =	vadd.s32 v40, v62  }
0x135: {  	v63 =	vadd.s32 s13, v46;
	_ =	sdelay $0x3  }
0x136: {  	[tilespmem:v62+s10+$0x0] =	vst.idx.add.f32.msk $0xffff, v3  }
0x137: {  	v62 =	vld.idx.msk [tilespmem:v63+s14+$0x0], $0xffff;
	_ =	sdelay $0x4  }
0x138: {  	v62 =	vadd.s32 v39, v62;
	_ =	sdelay $0x4  }
0x139: {  	[tilespmem:v62+s10+$0x0] =	vst.idx.add.f32.msk $0xffff, v3  }
0x13a: {  	v62 =	vld.idx.msk [tilespmem:v63+s7+$0x0], $0xffff;
	_ =	sdelay $0x4  }
0x13b: {  	v62 =	vadd.s32 v40, v62  }
0x13c: {  	v63 =	vadd.s32 s13, v47;
	_ =	sdelay $0x3  }
0x13d: {  	[tilespmem:v62+s10+$0x0] =	vst.idx.add.f32.msk $0xffff, v3  }
0x13e: {  	v62 =	vld.idx.msk [tilespmem:v63+s14+$0x0], $0xffff;
	_ =	sdelay $0x4  }
0x13f: {  	v62 =	vadd.s32 v39, v62;
	_ =	sdelay $0x4  }
0x140: {  	[tilespmem:v62+s10+$0x0] =	vst.idx.add.f32.msk $0xffff, v3  }
0x141: {  	v62 =	vld.idx.msk [tilespmem:v63+s7+$0x0], $0xffff;
	_ =	sdelay $0x4  }
0x142: {  	v62 =	vadd.s32 v40, v62  }
0x143: {  	v63 =	vadd.s32 s13, v48;
	_ =	sdelay $0x3  }
0x144: {  	[tilespmem:v62+s10+$0x0] =	vst.idx.add.f32.msk $0xffff, v3  }
0x145: {  	v62 =	vld.idx.msk [tilespmem:v63+s14+$0x0], $0xffff;
	_ =	sdelay $0x4  }
0x146: {  	v62 =	vadd.s32 v39, v62;
	_ =	sdelay $0x4  }
0x147: {  	[tilespmem:v62+s10+$0x0] =	vst.idx.add.f32.msk $0xffff, v3  }
0x148: {  	v62 =	vld.idx.msk [tilespmem:v63+s7+$0x0], $0xffff;
	_ =	sdelay $0x4  }
0x149: {  	v62 =	vadd.s32 v40, v62  }
0x14a: {  	v63 =	vadd.s32 s13, v49;
	_ =	sdelay $0x3  }
0x14b: {  	[tilespmem:v62+s10+$0x0] =	vst.idx.add.f32.msk $0xffff, v3  }
0x14c: {  	v62 =	vld.idx.msk [tilespmem:v63+s14+$0x0], $0xffff;
	_ =	sdelay $0x4  }
0x14d: {  	v62 =	vadd.s32 v39, v62;
	_ =	sdelay $0x4  }
0x14e: {  	[tilespmem:v62+s10+$0x0] =	vst.idx.add.f32.msk $0xffff, v3  }
0x14f: {  	v62 =	vld.idx.msk [tilespmem:v63+s7+$0x0], $0xffff;
	_ =	sdelay $0x4  }
0x150: {  	p0 =	sne.s32 s13, $0x28;
	v62 =	vadd.s32 v40, v62  }
.Ltmp4:
0x151: {  	_ = 	snop;
	(pc) =	sbr.rel @p0 .LBB2_8-.Ltmp4, $2  }
0x152: {  	_ =	sdelay $0x2  }
0x153: {  	s13 =	sadd.s32 $0xA, s13;
	[tilespmem:v62+s10+$0x0] =	vst.idx.add.f32.msk $0xffff, v3  }
0x154: {  	s13 =	simm.s32 $0x0  }
.LBB2_10:
0x155: {  	v62 =	vadd.s32 s13, v50;
	_ =	sdelay $0x4  }
0x156: {  	v63 =	vld.idx.msk [tilespmem:v62+s14+$0x0], $0xffff;
	_ =	sdelay $0x4  }
0x157: {  	v63 =	vadd.s32 v51, v63;
	_ =	sdelay $0x4  }
0x158: {  	[tilespmem:v63+s10+$0x0] =	vst.idx.add.f32.msk $0xffff, v3  }
0x159: {  	v62 =	vld.idx.msk [tilespmem:v62+s7+$0x0], $0xffff;
	_ =	sdelay $0x4  }
0x15a: {  	v62 =	vadd.s32 v52, v62  }
0x15b: {  	v63 =	vadd.s32 s13, v53;
	_ =	sdelay $0x3  }
0x15c: {  	[tilespmem:v62+s10+$0x0] =	vst.idx.add.f32.msk $0xffff, v3  }
0x15d: {  	v62 =	vld.idx.msk [tilespmem:v63+s14+$0x0], $0xffff;
	_ =	sdelay $0x4  }
0x15e: {  	v62 =	vadd.s32 v51, v62;
	_ =	sdelay $0x4  }
0x15f: {  	[tilespmem:v62+s10+$0x0] =	vst.idx.add.f32.msk $0xffff, v3  }
0x160: {  	v62 =	vld.idx.msk [tilespmem:v63+s7+$0x0], $0xffff;
	_ =	sdelay $0x4  }
0x161: {  	v62 =	vadd.s32 v52, v62  }
0x162: {  	v63 =	vadd.s32 s13, v54;
	_ =	sdelay $0x3  }
0x163: {  	[tilespmem:v62+s10+$0x0] =	vst.idx.add.f32.msk $0xffff, v3  }
0x164: {  	v62 =	vld.idx.msk [tilespmem:v63+s14+$0x0], $0xffff;
	_ =	sdelay $0x4  }
0x165: {  	v62 =	vadd.s32 v51, v62;
	_ =	sdelay $0x4  }
0x166: {  	[tilespmem:v62+s10+$0x0] =	vst.idx.add.f32.msk $0xffff, v3  }
0x167: {  	v62 =	vld.idx.msk [tilespmem:v63+s7+$0x0], $0xffff;
	_ =	sdelay $0x4  }
0x168: {  	v62 =	vadd.s32 v52, v62  }
0x169: {  	v63 =	vadd.s32 s13, v55;
	_ =	sdelay $0x3  }
0x16a: {  	[tilespmem:v62+s10+$0x0] =	vst.idx.add.f32.msk $0xffff, v3  }
0x16b: {  	v62 =	vld.idx.msk [tilespmem:v63+s14+$0x0], $0xffff;
	_ =	sdelay $0x4  }
0x16c: {  	v62 =	vadd.s32 v51, v62;
	_ =	sdelay $0x4  }
0x16d: {  	[tilespmem:v62+s10+$0x0] =	vst.idx.add.f32.msk $0xffff, v3  }
0x16e: {  	v62 =	vld.idx.msk [tilespmem:v63+s7+$0x0], $0xffff;
	_ =	sdelay $0x4  }
0x16f: {  	v62 =	vadd.s32 v52, v62  }
0x170: {  	v63 =	vadd.s32 s13, v56;
	_ =	sdelay $0x3  }
0x171: {  	[tilespmem:v62+s10+$0x0] =	vst.idx.add.f32.msk $0xffff, v3  }
0x172: {  	v62 =	vld.idx.msk [tilespmem:v63+s14+$0x0], $0xffff;
	_ =	sdelay $0x4  }
0x173: {  	v62 =	vadd.s32 v51, v62;
	_ =	sdelay $0x4  }
0x174: {  	[tilespmem:v62+s10+$0x0] =	vst.idx.add.f32.msk $0xffff, v3  }
0x175: {  	v62 =	vld.idx.msk [tilespmem:v63+s7+$0x0], $0xffff;
	_ =	sdelay $0x4  }
0x176: {  	v62 =	vadd.s32 v52, v62  }
0x177: {  	v63 =	vadd.s32 s13, v57;
	_ =	sdelay $0x3  }
0x178: {  	[tilespmem:v62+s10+$0x0] =	vst.idx.add.f32.msk $0xffff, v3  }
0x179: {  	v62 =	vld.idx.msk [tilespmem:v63+s14+$0x0], $0xffff;
	_ =	sdelay $0x4  }
0x17a: {  	v62 =	vadd.s32 v51, v62;
	_ =	sdelay $0x4  }
0x17b: {  	[tilespmem:v62+s10+$0x0] =	vst.idx.add.f32.msk $0xffff, v3  }
0x17c: {  	v62 =	vld.idx.msk [tilespmem:v63+s7+$0x0], $0xffff;
	_ =	sdelay $0x4  }
0x17d: {  	v62 =	vadd.s32 v52, v62  }
0x17e: {  	v63 =	vadd.s32 s13, v58;
	_ =	sdelay $0x3  }
0x17f: {  	[tilespmem:v62+s10+$0x0] =	vst.idx.add.f32.msk $0xffff, v3  }
0x180: {  	v62 =	vld.idx.msk [tilespmem:v63+s14+$0x0], $0xffff;
	_ =	sdelay $0x4  }
0x181: {  	v62 =	vadd.s32 v51, v62;
	_ =	sdelay $0x4  }
0x182: {  	[tilespmem:v62+s10+$0x0] =	vst.idx.add.f32.msk $0xffff, v3  }
0x183: {  	v62 =	vld.idx.msk [tilespmem:v63+s7+$0x0], $0xffff;
	_ =	sdelay $0x4  }
0x184: {  	v62 =	vadd.s32 v52, v62  }
0x185: {  	v63 =	vadd.s32 s13, v59;
	_ =	sdelay $0x3  }
0x186: {  	[tilespmem:v62+s10+$0x0] =	vst.idx.add.f32.msk $0xffff, v3  }
0x187: {  	v62 =	vld.idx.msk [tilespmem:v63+s14+$0x0], $0xffff;
	_ =	sdelay $0x4  }
0x188: {  	v62 =	vadd.s32 v51, v62;
	_ =	sdelay $0x4  }
0x189: {  	[tilespmem:v62+s10+$0x0] =	vst.idx.add.f32.msk $0xffff, v3  }
0x18a: {  	v62 =	vld.idx.msk [tilespmem:v63+s7+$0x0], $0xffff;
	_ =	sdelay $0x4  }
0x18b: {  	v62 =	vadd.s32 v52, v62  }
0x18c: {  	v63 =	vadd.s32 s13, v60;
	_ =	sdelay $0x3  }
0x18d: {  	[tilespmem:v62+s10+$0x0] =	vst.idx.add.f32.msk $0xffff, v3  }
0x18e: {  	v62 =	vld.idx.msk [tilespmem:v63+s14+$0x0], $0xffff;
	_ =	sdelay $0x4  }
0x18f: {  	v62 =	vadd.s32 v51, v62;
	_ =	sdelay $0x4  }
0x190: {  	[tilespmem:v62+s10+$0x0] =	vst.idx.add.f32.msk $0xffff, v3  }
0x191: {  	v62 =	vld.idx.msk [tilespmem:v63+s7+$0x0], $0xffff;
	_ =	sdelay $0x4  }
0x192: {  	v62 =	vadd.s32 v52, v62  }
0x193: {  	v63 =	vadd.s32 s13, v61;
	_ =	sdelay $0x3  }
0x194: {  	[tilespmem:v62+s10+$0x0] =	vst.idx.add.f32.msk $0xffff, v3  }
0x195: {  	v62 =	vld.idx.msk [tilespmem:v63+s14+$0x0], $0xffff;
	_ =	sdelay $0x4  }
0x196: {  	v62 =	vadd.s32 v51, v62;
	_ =	sdelay $0x4  }
0x197: {  	[tilespmem:v62+s10+$0x0] =	vst.idx.add.f32.msk $0xffff, v3  }
0x198: {  	v62 =	vld.idx.msk [tilespmem:v63+s7+$0x0], $0xffff;
	_ =	sdelay $0x4  }
0x199: {  	p0 =	sne.s32 s13, $0x28;
	v62 =	vadd.s32 v52, v62  }
.Ltmp5:
0x19a: {  	_ = 	snop;
	(pc) =	sbr.rel @p0 .LBB2_10-.Ltmp5, $2  }
0x19b: {  	_ =	sdelay $0x2  }
0x19c: {  	s13 =	sadd.s32 $0xA, s13;
	[tilespmem:v62+s10+$0x0] =	vst.idx.add.f32.msk $0xffff, v3  }
.LBB2_11:
0x19d: {  	v62 =	vadd.s32 $0xFA0, v1  }
0x19e: {  	v62 =	vadd.s32 s14, v62;
	_ =	sdelay $0x3  }
0x19f: {  	s13 =	simm.s32 $0x0  }
0x1a0: {  	v63 =	vld.idx.msk [tilespmem:v62+s13+$0x0], $0xffff;
	_ =	sdelay $0x3  }
0x1a1: {  	v5 =	vor.u32 $0xA00, v0  }
0x1a2: {  	v63 =	vadd.s32 v5, v63;
	_ =	sdelay $0x4  }
0x1a3: {  	[tilespmem:v63+s10+$0x0] =	vst.idx.add.f32.msk $0xffff, v3  }
0x1a4: {  	v62 =	vld.idx.msk [tilespmem:v62+s7+$0x0], $0xffff;
	_ =	sdelay $0x3  }
0x1a5: {  	v63 =	vor.u32 $0xA1B, v0  }
0x1a6: {  	v6 =	vadd.s32 $0xFA1, v1;
	v62 =	vadd.s32 v63, v62  }
0x1a7: {  	v6 =	vadd.s32 s14, v6;
	_ =	sdelay $0x3  }
0x1a8: {  	[tilespmem:v62+s10+$0x0] =	vst.idx.add.f32.msk $0xffff, v3  }
0x1a9: {  	v62 =	vld.idx.msk [tilespmem:v6+s13+$0x0], $0xffff;
	_ =	sdelay $0x4  }
0x1aa: {  	v62 =	vadd.s32 v5, v62;
	_ =	sdelay $0x4  }
0x1ab: {  	[tilespmem:v62+s10+$0x0] =	vst.idx.add.f32.msk $0xffff, v3  }
0x1ac: {  	v6 =	vld.idx.msk [tilespmem:v6+s7+$0x0], $0xffff;
	_ =	sdelay $0x4  }
0x1ad: {  	v62 =	vadd.s32 $0xFA2, v1;
	v6 =	vadd.s32 v63, v6  }
0x1ae: {  	v62 =	vadd.s32 s14, v62;
	_ =	sdelay $0x3  }
0x1af: {  	[tilespmem:v6+s10+$0x0] =	vst.idx.add.f32.msk $0xffff, v3  }
0x1b0: {  	v6 =	vld.idx.msk [tilespmem:v62+s13+$0x0], $0xffff;
	_ =	sdelay $0x4  }
0x1b1: {  	v6 =	vadd.s32 v5, v6;
	_ =	sdelay $0x4  }
0x1b2: {  	[tilespmem:v6+s10+$0x0] =	vst.idx.add.f32.msk $0xffff, v3  }
0x1b3: {  	v6 =	vld.idx.msk [tilespmem:v62+s7+$0x0], $0xffff;
	_ =	sdelay $0x4  }
0x1b4: {  	v62 =	vadd.s32 $0xFA3, v1;
	v6 =	vadd.s32 v63, v6  }
0x1b5: {  	v62 =	vadd.s32 s14, v62;
	_ =	sdelay $0x3  }
0x1b6: {  	[tilespmem:v6+s10+$0x0] =	vst.idx.add.f32.msk $0xffff, v3  }
0x1b7: {  	v6 =	vld.idx.msk [tilespmem:v62+s13+$0x0], $0xffff;
	_ =	sdelay $0x4  }
0x1b8: {  	v6 =	vadd.s32 v5, v6;
	_ =	sdelay $0x4  }
0x1b9: {  	[tilespmem:v6+s10+$0x0] =	vst.idx.add.f32.msk $0xffff, v3  }
0x1ba: {  	v6 =	vld.idx.msk [tilespmem:v62+s7+$0x0], $0xffff;
	_ =	sdelay $0x4  }
0x1bb: {  	v62 =	vadd.s32 $0xFA4, v1;
	v6 =	vadd.s32 v63, v6  }
0x1bc: {  	v62 =	vadd.s32 s14, v62;
	_ =	sdelay $0x3  }
0x1bd: {  	[tilespmem:v6+s10+$0x0] =	vst.idx.add.f32.msk $0xffff, v3  }
0x1be: {  	v6 =	vld.idx.msk [tilespmem:v62+s13+$0x0], $0xffff;
	_ =	sdelay $0x4  }
0x1bf: {  	v6 =	vadd.s32 v5, v6;
	_ =	sdelay $0x4  }
0x1c0: {  	[tilespmem:v6+s10+$0x0] =	vst.idx.add.f32.msk $0xffff, v3  }
0x1c1: {  	v6 =	vld.idx.msk [tilespmem:v62+s7+$0x0], $0xffff;
	_ =	sdelay $0x4  }
0x1c2: {  	v62 =	vadd.s32 $0xFA5, v1;
	v6 =	vadd.s32 v63, v6  }
0x1c3: {  	v62 =	vadd.s32 s14, v62;
	_ =	sdelay $0x3  }
0x1c4: {  	[tilespmem:v6+s10+$0x0] =	vst.idx.add.f32.msk $0xffff, v3  }
0x1c5: {  	v6 =	vld.idx.msk [tilespmem:v62+s13+$0x0], $0xffff;
	_ =	sdelay $0x4  }
0x1c6: {  	v6 =	vadd.s32 v5, v6;
	_ =	sdelay $0x4  }
0x1c7: {  	[tilespmem:v6+s10+$0x0] =	vst.idx.add.f32.msk $0xffff, v3  }
0x1c8: {  	v6 =	vld.idx.msk [tilespmem:v62+s7+$0x0], $0xffff;
	_ =	sdelay $0x4  }
0x1c9: {  	v62 =	vadd.s32 $0xFA6, v1;
	v6 =	vadd.s32 v63, v6  }
0x1ca: {  	v62 =	vadd.s32 s14, v62;
	_ =	sdelay $0x3  }
0x1cb: {  	[tilespmem:v6+s10+$0x0] =	vst.idx.add.f32.msk $0xffff, v3  }
0x1cc: {  	v6 =	vld.idx.msk [tilespmem:v62+s13+$0x0], $0xffff;
	_ =	sdelay $0x4  }
0x1cd: {  	v6 =	vadd.s32 v5, v6;
	_ =	sdelay $0x4  }
0x1ce: {  	[tilespmem:v6+s10+$0x0] =	vst.idx.add.f32.msk $0xffff, v3  }
0x1cf: {  	v6 =	vld.idx.msk [tilespmem:v62+s7+$0x0], $0xffff;
	_ =	sdelay $0x4  }
0x1d0: {  	v62 =	vadd.s32 $0xFA7, v1;
	v6 =	vadd.s32 v63, v6  }
0x1d1: {  	v62 =	vadd.s32 s14, v62;
	_ =	sdelay $0x3  }
0x1d2: {  	[tilespmem:v6+s10+$0x0] =	vst.idx.add.f32.msk $0xffff, v3  }
0x1d3: {  	v6 =	vld.idx.msk [tilespmem:v62+s13+$0x0], $0xffff;
	_ =	sdelay $0x4  }
0x1d4: {  	v6 =	vadd.s32 v5, v6;
	_ =	sdelay $0x4  }
0x1d5: {  	[tilespmem:v6+s10+$0x0] =	vst.idx.add.f32.msk $0xffff, v3  }
0x1d6: {  	v6 =	vld.idx.msk [tilespmem:v62+s7+$0x0], $0xffff;
	_ =	sdelay $0x4  }
0x1d7: {  	v62 =	vadd.s32 $0xFA8, v1;
	v6 =	vadd.s32 v63, v6  }
0x1d8: {  	v62 =	vadd.s32 s14, v62;
	_ =	sdelay $0x3  }
0x1d9: {  	[tilespmem:v6+s10+$0x0] =	vst.idx.add.f32.msk $0xffff, v3  }
0x1da: {  	v6 =	vld.idx.msk [tilespmem:v62+s13+$0x0], $0xffff;
	_ =	sdelay $0x4  }
0x1db: {  	v6 =	vadd.s32 v5, v6;
	_ =	sdelay $0x4  }
0x1dc: {  	[tilespmem:v6+s10+$0x0] =	vst.idx.add.f32.msk $0xffff, v3  }
0x1dd: {  	v6 =	vld.idx.msk [tilespmem:v62+s7+$0x0], $0xffff;
	_ =	sdelay $0x4  }
0x1de: {  	v62 =	vadd.s32 $0xFA9, v1;
	v6 =	vadd.s32 v63, v6  }
0x1df: {  	v62 =	vadd.s32 s14, v62;
	_ =	sdelay $0x3  }
0x1e0: {  	[tilespmem:v6+s10+$0x0] =	vst.idx.add.f32.msk $0xffff, v3  }
0x1e1: {  	v6 =	vld.idx.msk [tilespmem:v62+s13+$0x0], $0xffff;
	_ =	sdelay $0x4  }
0x1e2: {  	v5 =	vadd.s32 v5, v6;
	_ =	sdelay $0x4  }
0x1e3: {  	[tilespmem:v5+s10+$0x0] =	vst.idx.add.f32.msk $0xffff, v3  }
0x1e4: {  	v5 =	vld.idx.msk [tilespmem:v62+s7+$0x0], $0xffff;
	_ =	sdelay $0x4  }
0x1e5: {  	p0 =	sne.s32 s14, $0x28;
	v5 =	vadd.s32 v63, v5  }
.Ltmp6:
0x1e6: {  	_ = 	snop;
	(pc) =	sbr.rel @p0 .LBB2_11-.Ltmp6, $2  }
0x1e7: {  	_ =	sdelay $0x2  }
0x1e8: {  	s14 =	sadd.s32 $0xA, s14;
	[tilespmem:v5+s10+$0x0] =	vst.idx.add.f32.msk $0xffff, v3  }
0x1e9: {  	s14 =	simm.s32 $0x0  }
.LBB2_13:
0x1ea: {  	v5 =	vadd.s32 $0x12C0, v1  }
0x1eb: {  	v5 =	vadd.s32 s14, v5;
	_ =	sdelay $0x4  }
0x1ec: {  	v6 =	vld.idx.msk [tilespmem:v5+s13+$0x0], $0xffff;
	_ =	sdelay $0x3  }
0x1ed: {  	v62 =	vor.u32 $0xC00, v0  }
0x1ee: {  	v6 =	vadd.s32 v62, v6;
	_ =	sdelay $0x4  }
0x1ef: {  	[tilespmem:v6+s10+$0x0] =	vst.idx.add.f32.msk $0xffff, v3  }
0x1f0: {  	v5 =	vld.idx.msk [tilespmem:v5+s7+$0x0], $0xffff;
	_ =	sdelay $0x3  }
0x1f1: {  	v6 =	vor.u32 $0xC1B, v0  }
0x1f2: {  	v63 =	vadd.s32 $0x12C1, v1;
	v5 =	vadd.s32 v6, v5  }
0x1f3: {  	v63 =	vadd.s32 s14, v63;
	_ =	sdelay $0x3  }
0x1f4: {  	[tilespmem:v5+s10+$0x0] =	vst.idx.add.f32.msk $0xffff, v3  }
0x1f5: {  	v5 =	vld.idx.msk [tilespmem:v63+s13+$0x0], $0xffff;
	_ =	sdelay $0x4  }
0x1f6: {  	v5 =	vadd.s32 v62, v5;
	_ =	sdelay $0x4  }
0x1f7: {  	[tilespmem:v5+s10+$0x0] =	vst.idx.add.f32.msk $0xffff, v3  }
0x1f8: {  	v5 =	vld.idx.msk [tilespmem:v63+s7+$0x0], $0xffff;
	_ =	sdelay $0x4  }
0x1f9: {  	v63 =	vadd.s32 $0x12C2, v1;
	v5 =	vadd.s32 v6, v5  }
0x1fa: {  	v63 =	vadd.s32 s14, v63;
	_ =	sdelay $0x3  }
0x1fb: {  	[tilespmem:v5+s10+$0x0] =	vst.idx.add.f32.msk $0xffff, v3  }
0x1fc: {  	v5 =	vld.idx.msk [tilespmem:v63+s13+$0x0], $0xffff;
	_ =	sdelay $0x4  }
0x1fd: {  	v5 =	vadd.s32 v62, v5;
	_ =	sdelay $0x4  }
0x1fe: {  	[tilespmem:v5+s10+$0x0] =	vst.idx.add.f32.msk $0xffff, v3  }
0x1ff: {  	v5 =	vld.idx.msk [tilespmem:v63+s7+$0x0], $0xffff;
	_ =	sdelay $0x4  }
0x200: {  	v63 =	vadd.s32 $0x12C3, v1;
	v5 =	vadd.s32 v6, v5  }
0x201: {  	v63 =	vadd.s32 s14, v63;
	_ =	sdelay $0x3  }
0x202: {  	[tilespmem:v5+s10+$0x0] =	vst.idx.add.f32.msk $0xffff, v3  }
0x203: {  	v5 =	vld.idx.msk [tilespmem:v63+s13+$0x0], $0xffff;
	_ =	sdelay $0x4  }
0x204: {  	v5 =	vadd.s32 v62, v5;
	_ =	sdelay $0x4  }
0x205: {  	[tilespmem:v5+s10+$0x0] =	vst.idx.add.f32.msk $0xffff, v3  }
0x206: {  	v5 =	vld.idx.msk [tilespmem:v63+s7+$0x0], $0xffff;
	_ =	sdelay $0x4  }
0x207: {  	v63 =	vadd.s32 $0x12C4, v1;
	v5 =	vadd.s32 v6, v5  }
0x208: {  	v63 =	vadd.s32 s14, v63;
	_ =	sdelay $0x3  }
0x209: {  	[tilespmem:v5+s10+$0x0] =	vst.idx.add.f32.msk $0xffff, v3  }
0x20a: {  	v5 =	vld.idx.msk [tilespmem:v63+s13+$0x0], $0xffff;
	_ =	sdelay $0x4  }
0x20b: {  	v5 =	vadd.s32 v62, v5;
	_ =	sdelay $0x4  }
0x20c: {  	[tilespmem:v5+s10+$0x0] =	vst.idx.add.f32.msk $0xffff, v3  }
0x20d: {  	v5 =	vld.idx.msk [tilespmem:v63+s7+$0x0], $0xffff;
	_ =	sdelay $0x4  }
0x20e: {  	v63 =	vadd.s32 $0x12C5, v1;
	v5 =	vadd.s32 v6, v5  }
0x20f: {  	v63 =	vadd.s32 s14, v63;
	_ =	sdelay $0x3  }
0x210: {  	[tilespmem:v5+s10+$0x0] =	vst.idx.add.f32.msk $0xffff, v3  }
0x211: {  	v5 =	vld.idx.msk [tilespmem:v63+s13+$0x0], $0xffff;
	_ =	sdelay $0x4  }
0x212: {  	v5 =	vadd.s32 v62, v5;
	_ =	sdelay $0x4  }
0x213: {  	[tilespmem:v5+s10+$0x0] =	vst.idx.add.f32.msk $0xffff, v3  }
0x214: {  	v5 =	vld.idx.msk [tilespmem:v63+s7+$0x0], $0xffff;
	_ =	sdelay $0x4  }
0x215: {  	v63 =	vadd.s32 $0x12C6, v1;
	v5 =	vadd.s32 v6, v5  }
0x216: {  	v63 =	vadd.s32 s14, v63;
	_ =	sdelay $0x3  }
0x217: {  	[tilespmem:v5+s10+$0x0] =	vst.idx.add.f32.msk $0xffff, v3  }
0x218: {  	v5 =	vld.idx.msk [tilespmem:v63+s13+$0x0], $0xffff;
	_ =	sdelay $0x4  }
0x219: {  	v5 =	vadd.s32 v62, v5;
	_ =	sdelay $0x4  }
0x21a: {  	[tilespmem:v5+s10+$0x0] =	vst.idx.add.f32.msk $0xffff, v3  }
0x21b: {  	v5 =	vld.idx.msk [tilespmem:v63+s7+$0x0], $0xffff;
	_ =	sdelay $0x4  }
0x21c: {  	v63 =	vadd.s32 $0x12C7, v1;
	v5 =	vadd.s32 v6, v5  }
0x21d: {  	v63 =	vadd.s32 s14, v63;
	_ =	sdelay $0x3  }
0x21e: {  	[tilespmem:v5+s10+$0x0] =	vst.idx.add.f32.msk $0xffff, v3  }
0x21f: {  	v5 =	vld.idx.msk [tilespmem:v63+s13+$0x0], $0xffff;
	_ =	sdelay $0x4  }
0x220: {  	v5 =	vadd.s32 v62, v5;
	_ =	sdelay $0x4  }
0x221: {  	[tilespmem:v5+s10+$0x0] =	vst.idx.add.f32.msk $0xffff, v3  }
0x222: {  	v5 =	vld.idx.msk [tilespmem:v63+s7+$0x0], $0xffff;
	_ =	sdelay $0x4  }
0x223: {  	v63 =	vadd.s32 $0x12C8, v1;
	v5 =	vadd.s32 v6, v5  }
0x224: {  	v63 =	vadd.s32 s14, v63;
	_ =	sdelay $0x3  }
0x225: {  	[tilespmem:v5+s10+$0x0] =	vst.idx.add.f32.msk $0xffff, v3  }
0x226: {  	v5 =	vld.idx.msk [tilespmem:v63+s13+$0x0], $0xffff;
	_ =	sdelay $0x4  }
0x227: {  	v5 =	vadd.s32 v62, v5;
	_ =	sdelay $0x4  }
0x228: {  	[tilespmem:v5+s10+$0x0] =	vst.idx.add.f32.msk $0xffff, v3  }
0x229: {  	v5 =	vld.idx.msk [tilespmem:v63+s7+$0x0], $0xffff;
	_ =	sdelay $0x4  }
0x22a: {  	v63 =	vadd.s32 $0x12C9, v1;
	v5 =	vadd.s32 v6, v5  }
0x22b: {  	v63 =	vadd.s32 s14, v63;
	_ =	sdelay $0x3  }
0x22c: {  	[tilespmem:v5+s10+$0x0] =	vst.idx.add.f32.msk $0xffff, v3  }
0x22d: {  	v5 =	vld.idx.msk [tilespmem:v63+s13+$0x0], $0xffff;
	_ =	sdelay $0x4  }
0x22e: {  	v5 =	vadd.s32 v62, v5;
	_ =	sdelay $0x4  }
0x22f: {  	[tilespmem:v5+s10+$0x0] =	vst.idx.add.f32.msk $0xffff, v3  }
0x230: {  	v5 =	vld.idx.msk [tilespmem:v63+s7+$0x0], $0xffff;
	_ =	sdelay $0x4  }
0x231: {  	p0 =	sne.s32 s14, $0x28;
	v5 =	vadd.s32 v6, v5  }
.Ltmp7:
0x232: {  	_ = 	snop;
	(pc) =	sbr.rel @p0 .LBB2_13-.Ltmp7, $2  }
0x233: {  	_ =	sdelay $0x2  }
0x234: {  	s14 =	sadd.s32 $0xA, s14;
	[tilespmem:v5+s10+$0x0] =	vst.idx.add.f32.msk $0xffff, v3  }
.LBB2_14:
0x235: {  	v5 =	vadd.s32 $0x15E0, v1  }
0x236: {  	v5 =	vadd.s32 s13, v5;
	_ =	sdelay $0x4  }
0x237: {  	v6 =	vld.idx.msk [tilespmem:v5+s2+$0x0], $0xffff;
	_ =	sdelay $0x3  }
0x238: {  	v62 =	vor.u32 $0xE00, v0  }
0x239: {  	v6 =	vadd.s32 v62, v6;
	_ =	sdelay $0x4  }
0x23a: {  	[tilespmem:v6+s10+$0x0] =	vst.idx.add.f32.msk $0xffff, v3  }
0x23b: {  	v5 =	vld.idx.msk [tilespmem:v5+s7+$0x0], $0xffff;
	_ =	sdelay $0x3  }
0x23c: {  	v6 =	vor.u32 $0xE1B, v0  }
0x23d: {  	v63 =	vadd.s32 $0x15E1, v1;
	v5 =	vadd.s32 v6, v5  }
0x23e: {  	v63 =	vadd.s32 s13, v63;
	_ =	sdelay $0x3  }
0x23f: {  	[tilespmem:v5+s10+$0x0] =	vst.idx.add.f32.msk $0xffff, v3  }
0x240: {  	v5 =	vld.idx.msk [tilespmem:v63+s2+$0x0], $0xffff;
	_ =	sdelay $0x4  }
0x241: {  	v5 =	vadd.s32 v62, v5;
	_ =	sdelay $0x4  }
0x242: {  	[tilespmem:v5+s10+$0x0] =	vst.idx.add.f32.msk $0xffff, v3  }
0x243: {  	v5 =	vld.idx.msk [tilespmem:v63+s7+$0x0], $0xffff;
	_ =	sdelay $0x4  }
0x244: {  	v63 =	vadd.s32 $0x15E2, v1;
	v5 =	vadd.s32 v6, v5  }
0x245: {  	v63 =	vadd.s32 s13, v63;
	_ =	sdelay $0x3  }
0x246: {  	[tilespmem:v5+s10+$0x0] =	vst.idx.add.f32.msk $0xffff, v3  }
0x247: {  	v5 =	vld.idx.msk [tilespmem:v63+s2+$0x0], $0xffff;
	_ =	sdelay $0x4  }
0x248: {  	v5 =	vadd.s32 v62, v5;
	_ =	sdelay $0x4  }
0x249: {  	[tilespmem:v5+s10+$0x0] =	vst.idx.add.f32.msk $0xffff, v3  }
0x24a: {  	v5 =	vld.idx.msk [tilespmem:v63+s7+$0x0], $0xffff;
	_ =	sdelay $0x4  }
0x24b: {  	v63 =	vadd.s32 $0x15E3, v1;
	v5 =	vadd.s32 v6, v5  }
0x24c: {  	v63 =	vadd.s32 s13, v63;
	_ =	sdelay $0x3  }
0x24d: {  	[tilespmem:v5+s10+$0x0] =	vst.idx.add.f32.msk $0xffff, v3  }
0x24e: {  	v5 =	vld.idx.msk [tilespmem:v63+s2+$0x0], $0xffff;
	_ =	sdelay $0x4  }
0x24f: {  	v5 =	vadd.s32 v62, v5;
	_ =	sdelay $0x4  }
0x250: {  	[tilespmem:v5+s10+$0x0] =	vst.idx.add.f32.msk $0xffff, v3  }
0x251: {  	v5 =	vld.idx.msk [tilespmem:v63+s7+$0x0], $0xffff;
	_ =	sdelay $0x4  }
0x252: {  	v63 =	vadd.s32 $0x15E4, v1;
	v5 =	vadd.s32 v6, v5  }
0x253: {  	v63 =	vadd.s32 s13, v63;
	_ =	sdelay $0x3  }
0x254: {  	[tilespmem:v5+s10+$0x0] =	vst.idx.add.f32.msk $0xffff, v3  }
0x255: {  	v5 =	vld.idx.msk [tilespmem:v63+s2+$0x0], $0xffff;
	_ =	sdelay $0x4  }
0x256: {  	v5 =	vadd.s32 v62, v5;
	_ =	sdelay $0x4  }
0x257: {  	[tilespmem:v5+s10+$0x0] =	vst.idx.add.f32.msk $0xffff, v3  }
0x258: {  	v5 =	vld.idx.msk [tilespmem:v63+s7+$0x0], $0xffff;
	_ =	sdelay $0x4  }
0x259: {  	v63 =	vadd.s32 $0x15E5, v1;
	v5 =	vadd.s32 v6, v5  }
0x25a: {  	v63 =	vadd.s32 s13, v63;
	_ =	sdelay $0x3  }
0x25b: {  	[tilespmem:v5+s10+$0x0] =	vst.idx.add.f32.msk $0xffff, v3  }
0x25c: {  	v5 =	vld.idx.msk [tilespmem:v63+s2+$0x0], $0xffff;
	_ =	sdelay $0x4  }
0x25d: {  	v5 =	vadd.s32 v62, v5;
	_ =	sdelay $0x4  }
0x25e: {  	[tilespmem:v5+s10+$0x0] =	vst.idx.add.f32.msk $0xffff, v3  }
0x25f: {  	v5 =	vld.idx.msk [tilespmem:v63+s7+$0x0], $0xffff;
	_ =	sdelay $0x4  }
0x260: {  	v63 =	vadd.s32 $0x15E6, v1;
	v5 =	vadd.s32 v6, v5  }
0x261: {  	v63 =	vadd.s32 s13, v63;
	_ =	sdelay $0x3  }
0x262: {  	[tilespmem:v5+s10+$0x0] =	vst.idx.add.f32.msk $0xffff, v3  }
0x263: {  	v5 =	vld.idx.msk [tilespmem:v63+s2+$0x0], $0xffff;
	_ =	sdelay $0x4  }
0x264: {  	v5 =	vadd.s32 v62, v5;
	_ =	sdelay $0x4  }
0x265: {  	[tilespmem:v5+s10+$0x0] =	vst.idx.add.f32.msk $0xffff, v3  }
0x266: {  	v5 =	vld.idx.msk [tilespmem:v63+s7+$0x0], $0xffff;
	_ =	sdelay $0x4  }
0x267: {  	v63 =	vadd.s32 $0x15E7, v1;
	v5 =	vadd.s32 v6, v5  }
0x268: {  	v63 =	vadd.s32 s13, v63;
	_ =	sdelay $0x3  }
0x269: {  	[tilespmem:v5+s10+$0x0] =	vst.idx.add.f32.msk $0xffff, v3  }
0x26a: {  	v5 =	vld.idx.msk [tilespmem:v63+s2+$0x0], $0xffff;
	_ =	sdelay $0x4  }
0x26b: {  	v5 =	vadd.s32 v62, v5;
	_ =	sdelay $0x4  }
0x26c: {  	[tilespmem:v5+s10+$0x0] =	vst.idx.add.f32.msk $0xffff, v3  }
0x26d: {  	v5 =	vld.idx.msk [tilespmem:v63+s7+$0x0], $0xffff;
	_ =	sdelay $0x4  }
0x26e: {  	v63 =	vadd.s32 $0x15E8, v1;
	v5 =	vadd.s32 v6, v5  }
0x26f: {  	v63 =	vadd.s32 s13, v63;
	_ =	sdelay $0x3  }
0x270: {  	[tilespmem:v5+s10+$0x0] =	vst.idx.add.f32.msk $0xffff, v3  }
0x271: {  	v5 =	vld.idx.msk [tilespmem:v63+s2+$0x0], $0xffff;
	_ =	sdelay $0x4  }
0x272: {  	v5 =	vadd.s32 v62, v5;
	_ =	sdelay $0x4  }
0x273: {  	[tilespmem:v5+s10+$0x0] =	vst.idx.add.f32.msk $0xffff, v3  }
0x274: {  	v5 =	vld.idx.msk [tilespmem:v63+s7+$0x0], $0xffff;
	_ =	sdelay $0x4  }
0x275: {  	v63 =	vadd.s32 $0x15E9, v1;
	v5 =	vadd.s32 v6, v5  }
0x276: {  	v63 =	vadd.s32 s13, v63;
	_ =	sdelay $0x3  }
0x277: {  	[tilespmem:v5+s10+$0x0] =	vst.idx.add.f32.msk $0xffff, v3  }
0x278: {  	v5 =	vld.idx.msk [tilespmem:v63+s2+$0x0], $0xffff;
	_ =	sdelay $0x4  }
0x279: {  	v5 =	vadd.s32 v62, v5;
	_ =	sdelay $0x4  }
0x27a: {  	[tilespmem:v5+s10+$0x0] =	vst.idx.add.f32.msk $0xffff, v3  }
0x27b: {  	v5 =	vld.idx.msk [tilespmem:v63+s7+$0x0], $0xffff;
	_ =	sdelay $0x4  }
0x27c: {  	p0 =	sne.s32 s13, $0x28;
	v5 =	vadd.s32 v6, v5  }
.Ltmp8:
0x27d: {  	_ = 	snop;
	(pc) =	sbr.rel @p0 .LBB2_14-.Ltmp8, $2  }
0x27e: {  	_ =	sdelay $0x2  }
0x27f: {  	s13 =	sadd.s32 $0xA, s13;
	[tilespmem:v5+s10+$0x0] =	vst.idx.add.f32.msk $0xffff, v3  }
0x280: {  	s12 =	sadd.s32 $0x1, s12  }
0x281: {  	p0 =	sne.s32 s12, s6  }
.Ltmp9:
0x282: {  	_ = 	snop;
	(pc) =	sbr.rel @p0 .LBB2_1-.Ltmp9, $4  }
0x283: {  	[hbm4b:s5+s2] =	stream.linear.scatter [tilespmem:s10], [sflag:$0x3], $0x1000, $0x38;
	[tilespmem:$0x4200] =	vst v63  }
0x284: {  	_ =	swait.ge [sflag:s11], $0x1000  }
0x285: {  	[sflag:s11] =	ssyncset.done $0x0;
	v5 =	vld [tilespmem:$0x1FFE0]  }
0x286: {  	v6 =	vld [tilespmem:$0x1FFF0];
	[sflag:s11] =	ssyncadd.s32 $0xFFFFF000  }
0x287: {  	_ =	sfence.sel $0x180000  }
0x288: {  	[bflag:$0x0] =	sbarrier.arrive $0xFFFF  }
0x289: {  	p0 =	sne.s32 s0, $0x0;
	_ =	strace $0x90000047  }
0x28a: {  	s0 =	sadd.s32 @!p0 $0x100000, s1;
	[bflag:$0x2] =	sbarrier.arrive $0xFFFF  }
0x28b: {  	[sflag:s0] =	ssyncadd.tile.s32 @!p0 $0x1;
	_ =	shalt  }
.Lfunc_end2:
_tile_overlayer_lowered:
.L_overlay_start_2:
0x28c: {  	(tag) =	ssettag $0x2  }
0x28d: {  	s0 =	rddreg [dreg:$0x0];
	s2 =	stileid.u32  }
0x28e: {  	s1 =	rddreg [dreg:$0x1];
	p0 =	sne.s32 s2, $0x0  }
0x28f: {  	s3 =	rddreg [dreg:$0x2];
	[bflag:$0x3] =	sbarrier.arrive $0xFFFF;
	s2 =	simm.s32 @!p0 $0x1C03  }
0x290: {  	[timem:s3], [sflag:s2] =	dma.local @!p0 [hbm:s0], s1  }
0x291: {  	s0 =	simm.s32 @!p0 $0x3  }
0x292: {  	_ =	swait.ge @!p0 [sflag:s0], s1  }
0x293: {  	s1 =	ssub.s32 @!p0 $0x0, s1;
	[sflag:s0] =	ssyncset.done @!p0 $0x0  }
0x294: {  	[sflag:s0] =	ssyncadd.s32 @!p0 s1  }
0x295: {  	[bflag:$0x3] =	sbarrier.arrive $0xFFFF  }
0x296: {  	_ =	shalt  }

</sc_bundles>
